<compile_context>
chip_gen: v7x
topology: tpu7x:2x2x1
jax: 0.10.2.dev20260603
libtpu: 0.0.44.dev20260713+nightly
codegen_flags: <defaults>
</compile_context>

<pallas_src>
import functools

import jax
import jax.numpy as jnp
from jax import lax
from jax.experimental import pallas as pl
from jax.experimental.pallas import tpu as pltpu
from jax.experimental.pallas import tpu_sc as plsc

_TEMP = 10.0
_NEG = -1e30



def _mm_body(fs_ref, ft_ref, w_ref, b_ref, ys_ref, yt_ref):
    w = w_ref[...]
    bias = b_ref[...]
    rows = fs_ref.shape[0]
    dn = (((1,), (0,)), ((), ()))
    neg_col = jnp.full((rows, 1), _NEG, jnp.float32)
    y_s = lax.dot_general(fs_ref[...], w, dn,
                          preferred_element_type=jnp.float32) + bias
    y_t = lax.dot_general(ft_ref[...], w, dn,
                          preferred_element_type=jnp.float32) + bias
    ys_ref[...] = jnp.concatenate([y_s, neg_col], axis=1)
    yt_ref[...] = jnp.concatenate([y_t, neg_col], axis=1)


def _tc_matmul(f_s, f_t, W, b2):
    n, d = f_s.shape
    c = W.shape[1]
    rows = 512
    nb = n // rows
    return pl.pallas_call(
        _mm_body,
        grid=(nb,),
        in_specs=[
            pl.BlockSpec((rows, d), lambda i: (i, 0)),
            pl.BlockSpec((rows, d), lambda i: (i, 0)),
            pl.BlockSpec((d, c), lambda i: (0, 0)),
            pl.BlockSpec((1, c), lambda i: (0, 0)),
        ],
        out_specs=[
            pl.BlockSpec((rows, c + 1), lambda i: (i, 0)),
            pl.BlockSpec((rows, c + 1), lambda i: (i, 0)),
        ],
        out_shape=[
            jax.ShapeDtypeStruct((n, c + 1), jnp.float32),
            jax.ShapeDtypeStruct((n, c + 1), jnp.float32),
        ],
    )(f_s, f_t, W, b2)



def _rsqrt_newton(qv):
    iv = plsc.bitcast(qv, jnp.int32)
    r = plsc.bitcast(jnp.int32(0x5F3759DF) - (iv >> 1), jnp.float32)
    for _ in range(3):
        r = r * (1.5 - 0.5 * qv * r * r)
    return r


def _sc_body(rows_per, ys_hbm, yt_hbm, lab_hbm, out_s, out_t,
             yv_s, yv_t, labv, acc_s, acc_t):
    wid = lax.axis_index("s") * 2 + lax.axis_index("c")
    base = wid * rows_per
    iota = lax.iota(jnp.int32, 16)
    zeros16 = jnp.zeros((16,), jnp.float32)

    pltpu.sync_copy(ys_hbm.at[pl.ds(base * 16, rows_per * 16)], yv_s)
    pltpu.sync_copy(yt_hbm.at[pl.ds(base * 16, rows_per * 16)], yv_t)
    pltpu.sync_copy(lab_hbm.at[pl.ds(base, rows_per)], labv)

    for j in range(16):
        acc_s[pl.ds(j * 16, 16)] = zeros16
        acc_t[pl.ds(j * 16, 16)] = zeros16

    ones16 = jnp.ones((16,), jnp.float32)
    inv_t = 1.0 / _TEMP

    def group(g, carry):
        rowidx = g * 16 + iota

        flatbase = rowidx * 16

        def cols(ref):
            return [plsc.load_gather(ref, [flatbase + l]) for l in range(15)]

        v = cols(yv_s)
        m = v[0]
        for l in range(1, 15):
            m = jnp.maximum(m, v[l])
        e = [jnp.exp((v[l] - m) * inv_t) for l in range(15)]
        q = e[0] * e[0]
        for l in range(1, 15):
            q = q + e[l] * e[l]
        rs = _rsqrt_newton(q)
        lab16 = labv[pl.ds(g * 16, 16)]
        sbase = lab16 * 16
        for l in range(15):
            plsc.addupdate_scatter(acc_s, [sbase + l], e[l] * rs)
        plsc.addupdate_scatter(acc_s, [sbase + 15], ones16)

        v = cols(yv_t)
        m = v[0]
        for l in range(1, 15):
            m = jnp.maximum(m, v[l])
        s1 = jnp.exp(v[0] - m)
        for l in range(1, 15):
            s1 = s1 + jnp.exp(v[l] - m)
        conf = jnp.where(s1 < 1.25, 1.0, 0.0)
        e = [jnp.exp((v[l] - m) * inv_t) for l in range(15)]
        q = e[0] * e[0]
        for l in range(1, 15):
            q = q + e[l] * e[l]
        rs = _rsqrt_newton(q) * conf
        lt = jnp.full((16,), 15, jnp.int32)
        for l in range(14, -1, -1):
            lt = jnp.where(v[l] == m, l, lt)
        tbase = lt * 16
        for l in range(15):
            plsc.addupdate_scatter(acc_t, [tbase + l], e[l] * rs)
        plsc.addupdate_scatter(acc_t, [tbase + 15], conf)
        return carry

    lax.fori_loop(0, rows_per // 16, group, 0)

    pltpu.sync_copy(acc_s, out_s.at[wid])
    pltpu.sync_copy(acc_t, out_t.at[wid])


def _sc_stage(ys, yt, label_s):
    n = ys.shape[0]
    nw = 32
    rows_per = n // nw
    mesh = plsc.VectorSubcoreMesh(core_axis_name="c", subcore_axis_name="s")
    f = pl.kernel(
        functools.partial(_sc_body, rows_per),
        out_type=[
            jax.ShapeDtypeStruct((nw, 256), jnp.float32),
            jax.ShapeDtypeStruct((nw, 256), jnp.float32),
        ],
        mesh=mesh,
        compiler_params=pltpu.CompilerParams(needs_layout_passes=False),
        scratch_types=[
            pltpu.VMEM((rows_per * 16,), jnp.float32),
            pltpu.VMEM((rows_per * 16,), jnp.float32),
            pltpu.VMEM((rows_per,), jnp.int32),
            pltpu.VMEM((256,), jnp.float32),
            pltpu.VMEM((256,), jnp.float32),
        ],
    )
    return f(ys.reshape(-1), yt.reshape(-1), label_s)



def _fin_body(ps_ref, pt_ref, out_ref):
    a = jnp.sum(ps_ref[...], axis=0, keepdims=True)
    bt = jnp.sum(pt_ref[...], axis=0, keepdims=True)
    prod = a * bt
    total = jnp.sum(prod)
    lane = lax.broadcasted_iota(jnp.int32, prod.shape, 1)
    count = jnp.sum(jnp.where(lane % 16 == 15, prod, 0.0))
    loss_sum = 2.0 * count - total
    out_ref[0, 0] = (_TEMP * _TEMP) * loss_sum / jnp.maximum(count, 1.0)


def _tc_finish(ps, pt):
    nw = ps.shape[0]
    return pl.pallas_call(
        _fin_body,
        in_specs=[
            pl.BlockSpec((nw, 256), lambda: (0, 0)),
            pl.BlockSpec((nw, 256), lambda: (0, 0)),
        ],
        out_specs=pl.BlockSpec(memory_space=pltpu.SMEM),
        out_shape=jax.ShapeDtypeStruct((1, 1), jnp.float32),
    )(ps, pt)


def kernel(f_s, f_t, label_s, W, b):
    c = W.shape[1]
    b2 = b.reshape(1, c)
    ys, yt = _tc_matmul(f_s, f_t, W, b2)
    ps, pt = _sc_stage(ys, yt, label_s)
    out = _tc_finish(ps, pt)
    return out.reshape(1)

# --- scband reference (transcript-rebuilt; emitter-appended) ---
"""Pipeline reference for scband-inter-pcd-60275571032073 (READ-ONLY COPY).

The authoritative reference and input builder live on the scoring server;
editing this copy changes nothing except your own understanding.
"""

import jax, jax.numpy as jnp
import numpy as np

GAMMA = 10.0
MAX_ITER = 20000.0

def _a_to_b(step, A=0.0, B=1.0):
    return float(A + (2.0 / (1.0 + np.exp(-GAMMA * step / MAX_ITER)) - 1.0) * (B - A))

# GradientReverseModule increments its step each call; forward calls it twice (f_s then f_t)
COEFF_S = _a_to_b(0)
COEFF_T = _a_to_b(1)

def _grl_impl(coeff, x):
    return x

grl = jax.custom_vjp(_grl_impl, nondiff_argnums=(0,))

def _grl_fwd(coeff, x):
    return x, None

def _grl_bwd(coeff, res, g):
    return (-coeff * g,)

grl.defvjp(_grl_fwd, _grl_bwd)

B = 8192
D = 4096
C = 15
TEMP = 10.0

def setup_inputs(seed: int = 0):
    key = jax.random.key(seed)
    k1, k2, k3, k4, k5 = jax.random.split(key, 5)
    f_s = jax.random.normal(k1, (B, D), dtype=jnp.float32)
    f_t = jax.random.normal(k2, (B, D), dtype=jnp.float32)
    label_s = jax.random.randint(k3, (B,), 0, C, dtype=jnp.int32)
    # classifier params (Linear D->C); 0.05 scale keeps logits moderate so the
    # max_prob > 0.8 confidence mask selects a nontrivial subset of target samples
    W = 0.05 * jax.random.normal(k4, (D, C), dtype=jnp.float32)
    b = 0.05 * jax.random.normal(k5, (C,), dtype=jnp.float32)
    return {"f_s": f_s, "f_t": f_t, "label_s": label_s, "W": W, "b": b}

def _st_sc(y_s, y_t, label_s, temp):
    soft_yt1 = jax.nn.softmax(y_t, axis=1)
    max_prob_yt = jnp.max(soft_yt1, axis=1)
    label_t = jnp.argmax(soft_yt1, axis=1)
    soft_ys = jax.nn.softmax(y_s / temp, axis=1)
    soft_yt = jax.nn.softmax(y_t / temp, axis=1)
    conf = max_prob_yt > 0.8
    # vectorized equivalent of the per-class (range(15)) double gather loop:
    # pair (a,b) contributes iff label_s[a] == label_t[b] == i for some i < 15 and b is confident
    pair = (label_s[:, None] == label_t[None, :]) & conf[None, :] \
           & (label_s[:, None] < 15) & (label_t[None, :] < 15)
    eps = 1e-8  # matches F.cosine_similarity eps
    an = soft_ys / jnp.maximum(jnp.linalg.norm(soft_ys, axis=1, keepdims=True), eps)
    bn = soft_yt / jnp.maximum(jnp.linalg.norm(soft_yt, axis=1, keepdims=True), eps)
    cos = an @ bn.T
    m = pair.astype(jnp.float32)
    loss_sum = jnp.sum(m * (1.0 - cos))
    count = jnp.sum(m)
    # if count == 0 then loss_sum == 0, so safe divide reproduces the 0-loss branch
    return loss_sum / jnp.maximum(count, 1.0)

def reference(f_s, f_t, label_s, W, b):
    fs_grl = grl(COEFF_S, f_s)
    y_s = fs_grl @ W + b
    ft_grl = grl(COEFF_T, f_t)
    y_t = ft_grl @ W + b
    st_loss = _st_sc(y_s, y_t, label_s, TEMP)
    loss = (TEMP ** 2) * st_loss
    return loss.reshape(1)

if __name__ == "__main__":
    import jax
    _d = setup_inputs()
    print(jax.jit(kernel)(*tuple(_d.values())))

</pallas_src>

<mosaic_0001>
#map = affine_map<(d0, d1) -> (0)>
#map1 = affine_map<(d0, d1) -> (0, 0)>
module attributes {stable_mosaic.version = 14 : i64} {
  func.func @_sc_body(%arg0: i32, %arg1: i32, %arg2: memref<131072xf32, #tpu.memory_space<hbm>>, %arg3: memref<131072xf32, #tpu.memory_space<hbm>>, %arg4: memref<8192xi32, #tpu.memory_space<hbm>>, %arg5: memref<32x256xf32, #tpu.memory_space<hbm>>, %arg6: memref<32x256xf32, #tpu.memory_space<hbm>>, %arg7: memref<4096xf32, #tpu.memory_space<vmem>>, %arg8: memref<4096xf32, #tpu.memory_space<vmem>>, %arg9: memref<256xi32, #tpu.memory_space<vmem>>, %arg10: memref<256xf32, #tpu.memory_space<vmem>>, %arg11: memref<256xf32, #tpu.memory_space<vmem>>) attributes {dimension_semantics = [#tpu.dimension_semantics<core_parallel>, #tpu.dimension_semantics<subcore_parallel>], iteration_bounds = array<i64: 2, 16>, scalar_prefetch = 0 : i64, scratch_operands = 5 : i64, tpu.core_type = #tpu.core_type<sc_vector_subcore>, window_params = [{transform_indices = #map}, {transform_indices = #map}, {transform_indices = #map}, {transform_indices = #map1}, {transform_indices = #map1}]} {
    %mul3A = arith.constant 2 : i32
    %mul3A_0 = arith.muli %arg1, %mul3A : i32
    %add3A = arith.addi %mul3A_0, %arg0 : i32
    %mul3A_1 = arith.constant 256 : i32
    %mul3A_2 = arith.muli %add3A, %mul3A_1 : i32
    %iota3A = tpu.iota {dimensions = array<i32: 0>} : vector<16xi32>
    %broadcast_in_dim3A = arith.constant 0.000000e+00 : f32
    %broadcast_in_dim3A_3 = vector.broadcast %broadcast_in_dim3A : f32 to vector<16xf32>
    %mul3A_4 = arith.constant 16 : i32
    %mul3A_5 = arith.muli %mul3A_2, %mul3A_4 : i32
    "tpu.region"() ({
      %run_scoped3A = tpu.sem_alloc : memref<!tpu.dma_semaphore, #tpu.memory_space<semaphore_mem>>
      %dma_start3A = tpu.memref_slice %arg2[%mul3A_5] : memref<131072xf32, #tpu.memory_space<hbm>> -> memref<4096xf32, #tpu.memory_space<hbm>>
      %dma_start3A_78 = tpu.memref_slice %arg2[%mul3A_5] : memref<131072xf32, #tpu.memory_space<hbm>> -> memref<4096xf32, #tpu.memory_space<hbm>>
      tpu.enqueue_dma source(%dma_start3A_78 : memref<4096xf32, #tpu.memory_space<hbm>>) target(%arg7 : memref<4096xf32, #tpu.memory_space<vmem>>) target_semaphore(%run_scoped3A : memref<!tpu.dma_semaphore, #tpu.memory_space<semaphore_mem>>)
      %dma_wait3A = tpu.memref_slice %arg2[%mul3A_5] : memref<131072xf32, #tpu.memory_space<hbm>> -> memref<4096xf32, #tpu.memory_space<hbm>>
      %dma_wait3A_79 = tpu.memref_slice %arg2[%mul3A_5] : memref<131072xf32, #tpu.memory_space<hbm>> -> memref<4096xf32, #tpu.memory_space<hbm>>
      tpu.wait_dma2 semaphore(%run_scoped3A : memref<!tpu.dma_semaphore, #tpu.memory_space<semaphore_mem>>) src(%dma_wait3A_79 : memref<4096xf32, #tpu.memory_space<hbm>>) dst(%arg7 : memref<4096xf32, #tpu.memory_space<vmem>>)
      tpu.yield
    }) : () -> ()
    %mul3A_6 = arith.constant 16 : i32
    %mul3A_7 = arith.muli %mul3A_2, %mul3A_6 : i32
    "tpu.region"() ({
      %run_scoped3A = tpu.sem_alloc : memref<!tpu.dma_semaphore, #tpu.memory_space<semaphore_mem>>
      %dma_start3A = tpu.memref_slice %arg3[%mul3A_7] : memref<131072xf32, #tpu.memory_space<hbm>> -> memref<4096xf32, #tpu.memory_space<hbm>>
      %dma_start3A_78 = tpu.memref_slice %arg3[%mul3A_7] : memref<131072xf32, #tpu.memory_space<hbm>> -> memref<4096xf32, #tpu.memory_space<hbm>>
      tpu.enqueue_dma source(%dma_start3A_78 : memref<4096xf32, #tpu.memory_space<hbm>>) target(%arg8 : memref<4096xf32, #tpu.memory_space<vmem>>) target_semaphore(%run_scoped3A : memref<!tpu.dma_semaphore, #tpu.memory_space<semaphore_mem>>)
      %dma_wait3A = tpu.memref_slice %arg3[%mul3A_7] : memref<131072xf32, #tpu.memory_space<hbm>> -> memref<4096xf32, #tpu.memory_space<hbm>>
      %dma_wait3A_79 = tpu.memref_slice %arg3[%mul3A_7] : memref<131072xf32, #tpu.memory_space<hbm>> -> memref<4096xf32, #tpu.memory_space<hbm>>
      tpu.wait_dma2 semaphore(%run_scoped3A : memref<!tpu.dma_semaphore, #tpu.memory_space<semaphore_mem>>) src(%dma_wait3A_79 : memref<4096xf32, #tpu.memory_space<hbm>>) dst(%arg8 : memref<4096xf32, #tpu.memory_space<vmem>>)
      tpu.yield
    }) : () -> ()
    "tpu.region"() ({
      %run_scoped3A = tpu.sem_alloc : memref<!tpu.dma_semaphore, #tpu.memory_space<semaphore_mem>>
      %dma_start3A = tpu.memref_slice %arg4[%mul3A_2] : memref<8192xi32, #tpu.memory_space<hbm>> -> memref<256xi32, #tpu.memory_space<hbm>>
      %dma_start3A_78 = tpu.memref_slice %arg4[%mul3A_2] : memref<8192xi32, #tpu.memory_space<hbm>> -> memref<256xi32, #tpu.memory_space<hbm>>
      tpu.enqueue_dma source(%dma_start3A_78 : memref<256xi32, #tpu.memory_space<hbm>>) target(%arg9 : memref<256xi32, #tpu.memory_space<vmem>>) target_semaphore(%run_scoped3A : memref<!tpu.dma_semaphore, #tpu.memory_space<semaphore_mem>>)
      %dma_wait3A = tpu.memref_slice %arg4[%mul3A_2] : memref<8192xi32, #tpu.memory_space<hbm>> -> memref<256xi32, #tpu.memory_space<hbm>>
      %dma_wait3A_79 = tpu.memref_slice %arg4[%mul3A_2] : memref<8192xi32, #tpu.memory_space<hbm>> -> memref<256xi32, #tpu.memory_space<hbm>>
      tpu.wait_dma2 semaphore(%run_scoped3A : memref<!tpu.dma_semaphore, #tpu.memory_space<semaphore_mem>>) src(%dma_wait3A_79 : memref<256xi32, #tpu.memory_space<hbm>>) dst(%arg9 : memref<256xi32, #tpu.memory_space<vmem>>)
      tpu.yield
    }) : () -> ()
    %swap3A = arith.constant 0 : index
    %swap3A_8 = tpu.vector_load %arg10[%swap3A] {strides = array<i32>} : memref<256xf32, #tpu.memory_space<vmem>>, vector<16xf32>,
    tpu.vector_store %arg10[%swap3A], %broadcast_in_dim3A_3 {strides = array<i32>} : memref<256xf32, #tpu.memory_space<vmem>>, vector<16xf32>,
    %swap3A_9 = arith.constant 0 : index
    %swap3A_10 = tpu.vector_load %arg11[%swap3A_9] {strides = array<i32>} : memref<256xf32, #tpu.memory_space<vmem>>, vector<16xf32>,
    tpu.vector_store %arg11[%swap3A_9], %broadcast_in_dim3A_3 {strides = array<i32>} : memref<256xf32, #tpu.memory_space<vmem>>, vector<16xf32>,
    %swap3A_11 = arith.constant 16 : index
    %swap3A_12 = tpu.vector_load %arg10[%swap3A_11] {strides = array<i32>} : memref<256xf32, #tpu.memory_space<vmem>>, vector<16xf32>,
    tpu.vector_store %arg10[%swap3A_11], %broadcast_in_dim3A_3 {strides = array<i32>} : memref<256xf32, #tpu.memory_space<vmem>>, vector<16xf32>,
    %swap3A_13 = arith.constant 16 : index
    %swap3A_14 = tpu.vector_load %arg11[%swap3A_13] {strides = array<i32>} : memref<256xf32, #tpu.memory_space<vmem>>, vector<16xf32>,
    tpu.vector_store %arg11[%swap3A_13], %broadcast_in_dim3A_3 {strides = array<i32>} : memref<256xf32, #tpu.memory_space<vmem>>, vector<16xf32>,
    %swap3A_15 = arith.constant 32 : index
    %swap3A_16 = tpu.vector_load %arg10[%swap3A_15] {strides = array<i32>} : memref<256xf32, #tpu.memory_space<vmem>>, vector<16xf32>,
    tpu.vector_store %arg10[%swap3A_15], %broadcast_in_dim3A_3 {strides = array<i32>} : memref<256xf32, #tpu.memory_space<vmem>>, vector<16xf32>,
    %swap3A_17 = arith.constant 32 : index
    %swap3A_18 = tpu.vector_load %arg11[%swap3A_17] {strides = array<i32>} : memref<256xf32, #tpu.memory_space<vmem>>, vector<16xf32>,
    tpu.vector_store %arg11[%swap3A_17], %broadcast_in_dim3A_3 {strides = array<i32>} : memref<256xf32, #tpu.memory_space<vmem>>, vector<16xf32>,
    %swap3A_19 = arith.constant 48 : index
    %swap3A_20 = tpu.vector_load %arg10[%swap3A_19] {strides = array<i32>} : memref<256xf32, #tpu.memory_space<vmem>>, vector<16xf32>,
    tpu.vector_store %arg10[%swap3A_19], %broadcast_in_dim3A_3 {strides = array<i32>} : memref<256xf32, #tpu.memory_space<vmem>>, vector<16xf32>,
    %swap3A_21 = arith.constant 48 : index
    %swap3A_22 = tpu.vector_load %arg11[%swap3A_21] {strides = array<i32>} : memref<256xf32, #tpu.memory_space<vmem>>, vector<16xf32>,
    tpu.vector_store %arg11[%swap3A_21], %broadcast_in_dim3A_3 {strides = array<i32>} : memref<256xf32, #tpu.memory_space<vmem>>, vector<16xf32>,
    %swap3A_23 = arith.constant 64 : index
    %swap3A_24 = tpu.vector_load %arg10[%swap3A_23] {strides = array<i32>} : memref<256xf32, #tpu.memory_space<vmem>>, vector<16xf32>,
    tpu.vector_store %arg10[%swap3A_23], %broadcast_in_dim3A_3 {strides = array<i32>} : memref<256xf32, #tpu.memory_space<vmem>>, vector<16xf32>,
    %swap3A_25 = arith.constant 64 : index
    %swap3A_26 = tpu.vector_load %arg11[%swap3A_25] {strides = array<i32>} : memref<256xf32, #tpu.memory_space<vmem>>, vector<16xf32>,
    tpu.vector_store %arg11[%swap3A_25], %broadcast_in_dim3A_3 {strides = array<i32>} : memref<256xf32, #tpu.memory_space<vmem>>, vector<16xf32>,
    %swap3A_27 = arith.constant 80 : index
    %swap3A_28 = tpu.vector_load %arg10[%swap3A_27] {strides = array<i32>} : memref<256xf32, #tpu.memory_space<vmem>>, vector<16xf32>,
    tpu.vector_store %arg10[%swap3A_27], %broadcast_in_dim3A_3 {strides = array<i32>} : memref<256xf32, #tpu.memory_space<vmem>>, vector<16xf32>,
    %swap3A_29 = arith.constant 80 : index
    %swap3A_30 = tpu.vector_load %arg11[%swap3A_29] {strides = array<i32>} : memref<256xf32, #tpu.memory_space<vmem>>, vector<16xf32>,
    tpu.vector_store %arg11[%swap3A_29], %broadcast_in_dim3A_3 {strides = array<i32>} : memref<256xf32, #tpu.memory_space<vmem>>, vector<16xf32>,
    %swap3A_31 = arith.constant 96 : index
    %swap3A_32 = tpu.vector_load %arg10[%swap3A_31] {strides = array<i32>} : memref<256xf32, #tpu.memory_space<vmem>>, vector<16xf32>,
    tpu.vector_store %arg10[%swap3A_31], %broadcast_in_dim3A_3 {strides = array<i32>} : memref<256xf32, #tpu.memory_space<vmem>>, vector<16xf32>,
    %swap3A_33 = arith.constant 96 : index
    %swap3A_34 = tpu.vector_load %arg11[%swap3A_33] {strides = array<i32>} : memref<256xf32, #tpu.memory_space<vmem>>, vector<16xf32>,
    tpu.vector_store %arg11[%swap3A_33], %broadcast_in_dim3A_3 {strides = array<i32>} : memref<256xf32, #tpu.memory_space<vmem>>, vector<16xf32>,
    %swap3A_35 = arith.constant 112 : index
    %swap3A_36 = tpu.vector_load %arg10[%swap3A_35] {strides = array<i32>} : memref<256xf32, #tpu.memory_space<vmem>>, vector<16xf32>,
    tpu.vector_store %arg10[%swap3A_35], %broadcast_in_dim3A_3 {strides = array<i32>} : memref<256xf32, #tpu.memory_space<vmem>>, vector<16xf32>,
    %swap3A_37 = arith.constant 112 : index
    %swap3A_38 = tpu.vector_load %arg11[%swap3A_37] {strides = array<i32>} : memref<256xf32, #tpu.memory_space<vmem>>, vector<16xf32>,
    tpu.vector_store %arg11[%swap3A_37], %broadcast_in_dim3A_3 {strides = array<i32>} : memref<256xf32, #tpu.memory_space<vmem>>, vector<16xf32>,
    %swap3A_39 = arith.constant 128 : index
    %swap3A_40 = tpu.vector_load %arg10[%swap3A_39] {strides = array<i32>} : memref<256xf32, #tpu.memory_space<vmem>>, vector<16xf32>,
    tpu.vector_store %arg10[%swap3A_39], %broadcast_in_dim3A_3 {strides = array<i32>} : memref<256xf32, #tpu.memory_space<vmem>>, vector<16xf32>,
    %swap3A_41 = arith.constant 128 : index
    %swap3A_42 = tpu.vector_load %arg11[%swap3A_41] {strides = array<i32>} : memref<256xf32, #tpu.memory_space<vmem>>, vector<16xf32>,
    tpu.vector_store %arg11[%swap3A_41], %broadcast_in_dim3A_3 {strides = array<i32>} : memref<256xf32, #tpu.memory_space<vmem>>, vector<16xf32>,
    %swap3A_43 = arith.constant 144 : index
    %swap3A_44 = tpu.vector_load %arg10[%swap3A_43] {strides = array<i32>} : memref<256xf32, #tpu.memory_space<vmem>>, vector<16xf32>,
    tpu.vector_store %arg10[%swap3A_43], %broadcast_in_dim3A_3 {strides = array<i32>} : memref<256xf32, #tpu.memory_space<vmem>>, vector<16xf32>,
    %swap3A_45 = arith.constant 144 : index
    %swap3A_46 = tpu.vector_load %arg11[%swap3A_45] {strides = array<i32>} : memref<256xf32, #tpu.memory_space<vmem>>, vector<16xf32>,
    tpu.vector_store %arg11[%swap3A_45], %broadcast_in_dim3A_3 {strides = array<i32>} : memref<256xf32, #tpu.memory_space<vmem>>, vector<16xf32>,
    %swap3A_47 = arith.constant 160 : index
    %swap3A_48 = tpu.vector_load %arg10[%swap3A_47] {strides = array<i32>} : memref<256xf32, #tpu.memory_space<vmem>>, vector<16xf32>,
    tpu.vector_store %arg10[%swap3A_47], %broadcast_in_dim3A_3 {strides = array<i32>} : memref<256xf32, #tpu.memory_space<vmem>>, vector<16xf32>,
    %swap3A_49 = arith.constant 160 : index
    %swap3A_50 = tpu.vector_load %arg11[%swap3A_49] {strides = array<i32>} : memref<256xf32, #tpu.memory_space<vmem>>, vector<16xf32>,
    tpu.vector_store %arg11[%swap3A_49], %broadcast_in_dim3A_3 {strides = array<i32>} : memref<256xf32, #tpu.memory_space<vmem>>, vector<16xf32>,
    %swap3A_51 = arith.constant 176 : index
    %swap3A_52 = tpu.vector_load %arg10[%swap3A_51] {strides = array<i32>} : memref<256xf32, #tpu.memory_space<vmem>>, vector<16xf32>,
    tpu.vector_store %arg10[%swap3A_51], %broadcast_in_dim3A_3 {strides = array<i32>} : memref<256xf32, #tpu.memory_space<vmem>>, vector<16xf32>,
    %swap3A_53 = arith.constant 176 : index
    %swap3A_54 = tpu.vector_load %arg11[%swap3A_53] {strides = array<i32>} : memref<256xf32, #tpu.memory_space<vmem>>, vector<16xf32>,
    tpu.vector_store %arg11[%swap3A_53], %broadcast_in_dim3A_3 {strides = array<i32>} : memref<256xf32, #tpu.memory_space<vmem>>, vector<16xf32>,
    %swap3A_55 = arith.constant 192 : index
    %swap3A_56 = tpu.vector_load %arg10[%swap3A_55] {strides = array<i32>} : memref<256xf32, #tpu.memory_space<vmem>>, vector<16xf32>,
    tpu.vector_store %arg10[%swap3A_55], %broadcast_in_dim3A_3 {strides = array<i32>} : memref<256xf32, #tpu.memory_space<vmem>>, vector<16xf32>,
    %swap3A_57 = arith.constant 192 : index
    %swap3A_58 = tpu.vector_load %arg11[%swap3A_57] {strides = array<i32>} : memref<256xf32, #tpu.memory_space<vmem>>, vector<16xf32>,
    tpu.vector_store %arg11[%swap3A_57], %broadcast_in_dim3A_3 {strides = array<i32>} : memref<256xf32, #tpu.memory_space<vmem>>, vector<16xf32>,
    %swap3A_59 = arith.constant 208 : index
    %swap3A_60 = tpu.vector_load %arg10[%swap3A_59] {strides = array<i32>} : memref<256xf32, #tpu.memory_space<vmem>>, vector<16xf32>,
    tpu.vector_store %arg10[%swap3A_59], %broadcast_in_dim3A_3 {strides = array<i32>} : memref<256xf32, #tpu.memory_space<vmem>>, vector<16xf32>,
    %swap3A_61 = arith.constant 208 : index
    %swap3A_62 = tpu.vector_load %arg11[%swap3A_61] {strides = array<i32>} : memref<256xf32, #tpu.memory_space<vmem>>, vector<16xf32>,
    tpu.vector_store %arg11[%swap3A_61], %broadcast_in_dim3A_3 {strides = array<i32>} : memref<256xf32, #tpu.memory_space<vmem>>, vector<16xf32>,
    %swap3A_63 = arith.constant 224 : index
    %swap3A_64 = tpu.vector_load %arg10[%swap3A_63] {strides = array<i32>} : memref<256xf32, #tpu.memory_space<vmem>>, vector<16xf32>,
    tpu.vector_store %arg10[%swap3A_63], %broadcast_in_dim3A_3 {strides = array<i32>} : memref<256xf32, #tpu.memory_space<vmem>>, vector<16xf32>,
    %swap3A_65 = arith.constant 224 : index
    %swap3A_66 = tpu.vector_load %arg11[%swap3A_65] {strides = array<i32>} : memref<256xf32, #tpu.memory_space<vmem>>, vector<16xf32>,
    tpu.vector_store %arg11[%swap3A_65], %broadcast_in_dim3A_3 {strides = array<i32>} : memref<256xf32, #tpu.memory_space<vmem>>, vector<16xf32>,
    %swap3A_67 = arith.constant 240 : index
    %swap3A_68 = tpu.vector_load %arg10[%swap3A_67] {strides = array<i32>} : memref<256xf32, #tpu.memory_space<vmem>>, vector<16xf32>,
    tpu.vector_store %arg10[%swap3A_67], %broadcast_in_dim3A_3 {strides = array<i32>} : memref<256xf32, #tpu.memory_space<vmem>>, vector<16xf32>,
    %swap3A_69 = arith.constant 240 : index
    %swap3A_70 = tpu.vector_load %arg11[%swap3A_69] {strides = array<i32>} : memref<256xf32, #tpu.memory_space<vmem>>, vector<16xf32>,
    tpu.vector_store %arg11[%swap3A_69], %broadcast_in_dim3A_3 {strides = array<i32>} : memref<256xf32, #tpu.memory_space<vmem>>, vector<16xf32>,
    %broadcast_in_dim3A_71 = arith.constant 1.000000e+00 : f32
    %broadcast_in_dim3A_72 = vector.broadcast %broadcast_in_dim3A_71 : f32 to vector<16xf32>
    %scan3A = arith.constant 0 : i32
    %scan3A_73 = arith.constant 0 : i32
    %scan3A_74 = arith.constant 16 : i32
    %scan3A_75 = arith.addi %scan3A_73, %scan3A_74 : i32
    %scan3A_76 = arith.constant 1 : i32
    scf.for %scan3A_78 = %scan3A_73 to %scan3A_75 step %scan3A_76  : i32 {
      %mul3A_79 = arith.constant 16 : i32
      %mul3A_80 = arith.muli %scan3A_78, %mul3A_79 : i32
      %add3A_81 = vector.broadcast %mul3A_80 : i32 to vector<16xi32>
      %add3A_82 = arith.addi %add3A_81, %iota3A : vector<16xi32>
      %mul3A_83 = arith.constant 16 : i32
      %mul3A_84 = vector.broadcast %mul3A_83 : i32 to vector<16xi32>
      %mul3A_85 = arith.muli %add3A_82, %mul3A_84 : vector<16xi32>
      %add3A_86 = arith.constant 0 : i32
      %add3A_87 = vector.broadcast %add3A_86 : i32 to vector<16xi32>
      %add3A_88 = arith.addi %mul3A_85, %add3A_87 : vector<16xi32>
      %gather3A = tpu.vector_load_idx %arg7[%add3A_88] : memref<4096xf32, #tpu.memory_space<vmem>>[vector<16xi32>], vector<16xf32>,
      %add3A_89 = arith.constant 1 : i32
      %add3A_90 = vector.broadcast %add3A_89 : i32 to vector<16xi32>
      %add3A_91 = arith.addi %mul3A_85, %add3A_90 : vector<16xi32>
      %gather3A_92 = tpu.vector_load_idx %arg7[%add3A_91] : memref<4096xf32, #tpu.memory_space<vmem>>[vector<16xi32>], vector<16xf32>,
      %add3A_93 = arith.constant 2 : i32
      %add3A_94 = vector.broadcast %add3A_93 : i32 to vector<16xi32>
      %add3A_95 = arith.addi %mul3A_85, %add3A_94 : vector<16xi32>
      %gather3A_96 = tpu.vector_load_idx %arg7[%add3A_95] : memref<4096xf32, #tpu.memory_space<vmem>>[vector<16xi32>], vector<16xf32>,
      %add3A_97 = arith.constant 3 : i32
      %add3A_98 = vector.broadcast %add3A_97 : i32 to vector<16xi32>
      %add3A_99 = arith.addi %mul3A_85, %add3A_98 : vector<16xi32>
      %gather3A_100 = tpu.vector_load_idx %arg7[%add3A_99] : memref<4096xf32, #tpu.memory_space<vmem>>[vector<16xi32>], vector<16xf32>,
      %add3A_101 = arith.constant 4 : i32
      %add3A_102 = vector.broadcast %add3A_101 : i32 to vector<16xi32>
      %add3A_103 = arith.addi %mul3A_85, %add3A_102 : vector<16xi32>
      %gather3A_104 = tpu.vector_load_idx %arg7[%add3A_103] : memref<4096xf32, #tpu.memory_space<vmem>>[vector<16xi32>], vector<16xf32>,
      %add3A_105 = arith.constant 5 : i32
      %add3A_106 = vector.broadcast %add3A_105 : i32 to vector<16xi32>
      %add3A_107 = arith.addi %mul3A_85, %add3A_106 : vector<16xi32>
      %gather3A_108 = tpu.vector_load_idx %arg7[%add3A_107] : memref<4096xf32, #tpu.memory_space<vmem>>[vector<16xi32>], vector<16xf32>,
      %add3A_109 = arith.constant 6 : i32
      %add3A_110 = vector.broadcast %add3A_109 : i32 to vector<16xi32>
      %add3A_111 = arith.addi %mul3A_85, %add3A_110 : vector<16xi32>
      %gather3A_112 = tpu.vector_load_idx %arg7[%add3A_111] : memref<4096xf32, #tpu.memory_space<vmem>>[vector<16xi32>], vector<16xf32>,
      %add3A_113 = arith.constant 7 : i32
      %add3A_114 = vector.broadcast %add3A_113 : i32 to vector<16xi32>
      %add3A_115 = arith.addi %mul3A_85, %add3A_114 : vector<16xi32>
      %gather3A_116 = tpu.vector_load_idx %arg7[%add3A_115] : memref<4096xf32, #tpu.memory_space<vmem>>[vector<16xi32>], vector<16xf32>,
      %add3A_117 = arith.constant 8 : i32
      %add3A_118 = vector.broadcast %add3A_117 : i32 to vector<16xi32>
      %add3A_119 = arith.addi %mul3A_85, %add3A_118 : vector<16xi32>
      %gather3A_120 = tpu.vector_load_idx %arg7[%add3A_119] : memref<4096xf32, #tpu.memory_space<vmem>>[vector<16xi32>], vector<16xf32>,
      %add3A_121 = arith.constant 9 : i32
      %add3A_122 = vector.broadcast %add3A_121 : i32 to vector<16xi32>
      %add3A_123 = arith.addi %mul3A_85, %add3A_122 : vector<16xi32>
      %gather3A_124 = tpu.vector_load_idx %arg7[%add3A_123] : memref<4096xf32, #tpu.memory_space<vmem>>[vector<16xi32>], vector<16xf32>,
      %add3A_125 = arith.constant 10 : i32
      %add3A_126 = vector.broadcast %add3A_125 : i32 to vector<16xi32>
      %add3A_127 = arith.addi %mul3A_85, %add3A_126 : vector<16xi32>
      %gather3A_128 = tpu.vector_load_idx %arg7[%add3A_127] : memref<4096xf32, #tpu.memory_space<vmem>>[vector<16xi32>], vector<16xf32>,
      %add3A_129 = arith.constant 11 : i32
      %add3A_130 = vector.broadcast %add3A_129 : i32 to vector<16xi32>
      %add3A_131 = arith.addi %mul3A_85, %add3A_130 : vector<16xi32>
      %gather3A_132 = tpu.vector_load_idx %arg7[%add3A_131] : memref<4096xf32, #tpu.memory_space<vmem>>[vector<16xi32>], vector<16xf32>,
      %add3A_133 = arith.constant 12 : i32
      %add3A_134 = vector.broadcast %add3A_133 : i32 to vector<16xi32>
      %add3A_135 = arith.addi %mul3A_85, %add3A_134 : vector<16xi32>
      %gather3A_136 = tpu.vector_load_idx %arg7[%add3A_135] : memref<4096xf32, #tpu.memory_space<vmem>>[vector<16xi32>], vector<16xf32>,
      %add3A_137 = arith.constant 13 : i32
      %add3A_138 = vector.broadcast %add3A_137 : i32 to vector<16xi32>
      %add3A_139 = arith.addi %mul3A_85, %add3A_138 : vector<16xi32>
      %gather3A_140 = tpu.vector_load_idx %arg7[%add3A_139] : memref<4096xf32, #tpu.memory_space<vmem>>[vector<16xi32>], vector<16xf32>,
      %add3A_141 = arith.constant 14 : i32
      %add3A_142 = vector.broadcast %add3A_141 : i32 to vector<16xi32>
      %add3A_143 = arith.addi %mul3A_85, %add3A_142 : vector<16xi32>
      %gather3A_144 = tpu.vector_load_idx %arg7[%add3A_143] : memref<4096xf32, #tpu.memory_space<vmem>>[vector<16xi32>], vector<16xf32>,
      %max3A = arith.maximumf %gather3A, %gather3A_92 : vector<16xf32>
      %max3A_145 = arith.maximumf %max3A, %gather3A_96 : vector<16xf32>
      %max3A_146 = arith.maximumf %max3A_145, %gather3A_100 : vector<16xf32>
      %max3A_147 = arith.maximumf %max3A_146, %gather3A_104 : vector<16xf32>
      %max3A_148 = arith.maximumf %max3A_147, %gather3A_108 : vector<16xf32>
      %max3A_149 = arith.maximumf %max3A_148, %gather3A_112 : vector<16xf32>
      %max3A_150 = arith.maximumf %max3A_149, %gather3A_116 : vector<16xf32>
      %max3A_151 = arith.maximumf %max3A_150, %gather3A_120 : vector<16xf32>
      %max3A_152 = arith.maximumf %max3A_151, %gather3A_124 : vector<16xf32>
      %max3A_153 = arith.maximumf %max3A_152, %gather3A_128 : vector<16xf32>
      %max3A_154 = arith.maximumf %max3A_153, %gather3A_132 : vector<16xf32>
      %max3A_155 = arith.maximumf %max3A_154, %gather3A_136 : vector<16xf32>
      %max3A_156 = arith.maximumf %max3A_155, %gather3A_140 : vector<16xf32>
      %max3A_157 = arith.maximumf %max3A_156, %gather3A_144 : vector<16xf32>
      %sub3A = arith.subf %gather3A, %max3A_157 : vector<16xf32>
      %mul3A_158 = arith.constant 1.000000e-01 : f32
      %mul3A_159 = vector.broadcast %mul3A_158 : f32 to vector<16xf32>
      %mul3A_160 = arith.mulf %sub3A, %mul3A_159 : vector<16xf32>
      %exp3A = math.exp %mul3A_160 : vector<16xf32>
      %sub3A_161 = arith.subf %gather3A_92, %max3A_157 : vector<16xf32>
      %mul3A_162 = arith.constant 1.000000e-01 : f32
      %mul3A_163 = vector.broadcast %mul3A_162 : f32 to vector<16xf32>
      %mul3A_164 = arith.mulf %sub3A_161, %mul3A_163 : vector<16xf32>
      %exp3A_165 = math.exp %mul3A_164 : vector<16xf32>
      %sub3A_166 = arith.subf %gather3A_96, %max3A_157 : vector<16xf32>
      %mul3A_167 = arith.constant 1.000000e-01 : f32
      %mul3A_168 = vector.broadcast %mul3A_167 : f32 to vector<16xf32>
      %mul3A_169 = arith.mulf %sub3A_166, %mul3A_168 : vector<16xf32>
      %exp3A_170 = math.exp %mul3A_169 : vector<16xf32>
      %sub3A_171 = arith.subf %gather3A_100, %max3A_157 : vector<16xf32>
      %mul3A_172 = arith.constant 1.000000e-01 : f32
      %mul3A_173 = vector.broadcast %mul3A_172 : f32 to vector<16xf32>
      %mul3A_174 = arith.mulf %sub3A_171, %mul3A_173 : vector<16xf32>
      %exp3A_175 = math.exp %mul3A_174 : vector<16xf32>
      %sub3A_176 = arith.subf %gather3A_104, %max3A_157 : vector<16xf32>
      %mul3A_177 = arith.constant 1.000000e-01 : f32
      %mul3A_178 = vector.broadcast %mul3A_177 : f32 to vector<16xf32>
      %mul3A_179 = arith.mulf %sub3A_176, %mul3A_178 : vector<16xf32>
      %exp3A_180 = math.exp %mul3A_179 : vector<16xf32>
      %sub3A_181 = arith.subf %gather3A_108, %max3A_157 : vector<16xf32>
      %mul3A_182 = arith.constant 1.000000e-01 : f32
      %mul3A_183 = vector.broadcast %mul3A_182 : f32 to vector<16xf32>
      %mul3A_184 = arith.mulf %sub3A_181, %mul3A_183 : vector<16xf32>
      %exp3A_185 = math.exp %mul3A_184 : vector<16xf32>
      %sub3A_186 = arith.subf %gather3A_112, %max3A_157 : vector<16xf32>
      %mul3A_187 = arith.constant 1.000000e-01 : f32
      %mul3A_188 = vector.broadcast %mul3A_187 : f32 to vector<16xf32>
      %mul3A_189 = arith.mulf %sub3A_186, %mul3A_188 : vector<16xf32>
      %exp3A_190 = math.exp %mul3A_189 : vector<16xf32>
      %sub3A_191 = arith.subf %gather3A_116, %max3A_157 : vector<16xf32>
      %mul3A_192 = arith.constant 1.000000e-01 : f32
      %mul3A_193 = vector.broadcast %mul3A_192 : f32 to vector<16xf32>
      %mul3A_194 = arith.mulf %sub3A_191, %mul3A_193 : vector<16xf32>
      %exp3A_195 = math.exp %mul3A_194 : vector<16xf32>
      %sub3A_196 = arith.subf %gather3A_120, %max3A_157 : vector<16xf32>
      %mul3A_197 = arith.constant 1.000000e-01 : f32
      %mul3A_198 = vector.broadcast %mul3A_197 : f32 to vector<16xf32>
      %mul3A_199 = arith.mulf %sub3A_196, %mul3A_198 : vector<16xf32>
      %exp3A_200 = math.exp %mul3A_199 : vector<16xf32>
      %sub3A_201 = arith.subf %gather3A_124, %max3A_157 : vector<16xf32>
      %mul3A_202 = arith.constant 1.000000e-01 : f32
      %mul3A_203 = vector.broadcast %mul3A_202 : f32 to vector<16xf32>
      %mul3A_204 = arith.mulf %sub3A_201, %mul3A_203 : vector<16xf32>
      %exp3A_205 = math.exp %mul3A_204 : vector<16xf32>
      %sub3A_206 = arith.subf %gather3A_128, %max3A_157 : vector<16xf32>
      %mul3A_207 = arith.constant 1.000000e-01 : f32
      %mul3A_208 = vector.broadcast %mul3A_207 : f32 to vector<16xf32>
      %mul3A_209 = arith.mulf %sub3A_206, %mul3A_208 : vector<16xf32>
      %exp3A_210 = math.exp %mul3A_209 : vector<16xf32>
      %sub3A_211 = arith.subf %gather3A_132, %max3A_157 : vector<16xf32>
      %mul3A_212 = arith.constant 1.000000e-01 : f32
      %mul3A_213 = vector.broadcast %mul3A_212 : f32 to vector<16xf32>
      %mul3A_214 = arith.mulf %sub3A_211, %mul3A_213 : vector<16xf32>
      %exp3A_215 = math.exp %mul3A_214 : vector<16xf32>
      %sub3A_216 = arith.subf %gather3A_136, %max3A_157 : vector<16xf32>
      %mul3A_217 = arith.constant 1.000000e-01 : f32
      %mul3A_218 = vector.broadcast %mul3A_217 : f32 to vector<16xf32>
      %mul3A_219 = arith.mulf %sub3A_216, %mul3A_218 : vector<16xf32>
      %exp3A_220 = math.exp %mul3A_219 : vector<16xf32>
      %sub3A_221 = arith.subf %gather3A_140, %max3A_157 : vector<16xf32>
      %mul3A_222 = arith.constant 1.000000e-01 : f32
      %mul3A_223 = vector.broadcast %mul3A_222 : f32 to vector<16xf32>
      %mul3A_224 = arith.mulf %sub3A_221, %mul3A_223 : vector<16xf32>
      %exp3A_225 = math.exp %mul3A_224 : vector<16xf32>
      %sub3A_226 = arith.subf %gather3A_144, %max3A_157 : vector<16xf32>
      %mul3A_227 = arith.constant 1.000000e-01 : f32
      %mul3A_228 = vector.broadcast %mul3A_227 : f32 to vector<16xf32>
      %mul3A_229 = arith.mulf %sub3A_226, %mul3A_228 : vector<16xf32>
      %exp3A_230 = math.exp %mul3A_229 : vector<16xf32>
      %mul3A_231 = arith.mulf %exp3A, %exp3A : vector<16xf32>
      %mul3A_232 = arith.mulf %exp3A_165, %exp3A_165 : vector<16xf32>
      %add3A_233 = arith.addf %mul3A_231, %mul3A_232 : vector<16xf32>
      %mul3A_234 = arith.mulf %exp3A_170, %exp3A_170 : vector<16xf32>
      %add3A_235 = arith.addf %add3A_233, %mul3A_234 : vector<16xf32>
      %mul3A_236 = arith.mulf %exp3A_175, %exp3A_175 : vector<16xf32>
      %add3A_237 = arith.addf %add3A_235, %mul3A_236 : vector<16xf32>
      %mul3A_238 = arith.mulf %exp3A_180, %exp3A_180 : vector<16xf32>
      %add3A_239 = arith.addf %add3A_237, %mul3A_238 : vector<16xf32>
      %mul3A_240 = arith.mulf %exp3A_185, %exp3A_185 : vector<16xf32>
      %add3A_241 = arith.addf %add3A_239, %mul3A_240 : vector<16xf32>
      %mul3A_242 = arith.mulf %exp3A_190, %exp3A_190 : vector<16xf32>
      %add3A_243 = arith.addf %add3A_241, %mul3A_242 : vector<16xf32>
      %mul3A_244 = arith.mulf %exp3A_195, %exp3A_195 : vector<16xf32>
      %add3A_245 = arith.addf %add3A_243, %mul3A_244 : vector<16xf32>
      %mul3A_246 = arith.mulf %exp3A_200, %exp3A_200 : vector<16xf32>
      %add3A_247 = arith.addf %add3A_245, %mul3A_246 : vector<16xf32>
      %mul3A_248 = arith.mulf %exp3A_205, %exp3A_205 : vector<16xf32>
      %add3A_249 = arith.addf %add3A_247, %mul3A_248 : vector<16xf32>
      %mul3A_250 = arith.mulf %exp3A_210, %exp3A_210 : vector<16xf32>
      %add3A_251 = arith.addf %add3A_249, %mul3A_250 : vector<16xf32>
      %mul3A_252 = arith.mulf %exp3A_215, %exp3A_215 : vector<16xf32>
      %add3A_253 = arith.addf %add3A_251, %mul3A_252 : vector<16xf32>
      %mul3A_254 = arith.mulf %exp3A_220, %exp3A_220 : vector<16xf32>
      %add3A_255 = arith.addf %add3A_253, %mul3A_254 : vector<16xf32>
      %mul3A_256 = arith.mulf %exp3A_225, %exp3A_225 : vector<16xf32>
      %add3A_257 = arith.addf %add3A_255, %mul3A_256 : vector<16xf32>
      %mul3A_258 = arith.mulf %exp3A_230, %exp3A_230 : vector<16xf32>
      %add3A_259 = arith.addf %add3A_257, %mul3A_258 : vector<16xf32>
      %bitcast3A = vector.bitcast %add3A_259 : vector<16xf32> to vector<16xi32>
      %shift_right_arithmetic3A = arith.constant 1 : i32
      %shift_right_arithmetic3A_260 = vector.broadcast %shift_right_arithmetic3A : i32 to vector<16xi32>
      %shift_right_arithmetic3A_261 = arith.shrsi %bitcast3A, %shift_right_arithmetic3A_260 : vector<16xi32>
      %sub3A_262 = arith.constant 1597463007 : i32
      %sub3A_263 = vector.broadcast %sub3A_262 : i32 to vector<16xi32>
      %sub3A_264 = arith.subi %sub3A_263, %shift_right_arithmetic3A_261 : vector<16xi32>
      %bitcast3A_265 = vector.bitcast %sub3A_264 : vector<16xi32> to vector<16xf32>
      %mul3A_266 = arith.constant 5.000000e-01 : f32
      %mul3A_267 = vector.broadcast %mul3A_266 : f32 to vector<16xf32>
      %mul3A_268 = arith.mulf %mul3A_267, %add3A_259 : vector<16xf32>
      %mul3A_269 = arith.mulf %mul3A_268, %bitcast3A_265 : vector<16xf32>
      %mul3A_270 = arith.mulf %mul3A_269, %bitcast3A_265 : vector<16xf32>
      %sub3A_271 = arith.constant 1.500000e+00 : f32
      %sub3A_272 = vector.broadcast %sub3A_271 : f32 to vector<16xf32>
      %sub3A_273 = arith.subf %sub3A_272, %mul3A_270 : vector<16xf32>
      %mul3A_274 = arith.mulf %bitcast3A_265, %sub3A_273 : vector<16xf32>
      %mul3A_275 = arith.constant 5.000000e-01 : f32
      %mul3A_276 = vector.broadcast %mul3A_275 : f32 to vector<16xf32>
      %mul3A_277 = arith.mulf %mul3A_276, %add3A_259 : vector<16xf32>
      %mul3A_278 = arith.mulf %mul3A_277, %mul3A_274 : vector<16xf32>
      %mul3A_279 = arith.mulf %mul3A_278, %mul3A_274 : vector<16xf32>
      %sub3A_280 = arith.constant 1.500000e+00 : f32
      %sub3A_281 = vector.broadcast %sub3A_280 : f32 to vector<16xf32>
      %sub3A_282 = arith.subf %sub3A_281, %mul3A_279 : vector<16xf32>
      %mul3A_283 = arith.mulf %mul3A_274, %sub3A_282 : vector<16xf32>
      %mul3A_284 = arith.constant 5.000000e-01 : f32
      %mul3A_285 = vector.broadcast %mul3A_284 : f32 to vector<16xf32>
      %mul3A_286 = arith.mulf %mul3A_285, %add3A_259 : vector<16xf32>
      %mul3A_287 = arith.mulf %mul3A_286, %mul3A_283 : vector<16xf32>
      %mul3A_288 = arith.mulf %mul3A_287, %mul3A_283 : vector<16xf32>
      %sub3A_289 = arith.constant 1.500000e+00 : f32
      %sub3A_290 = vector.broadcast %sub3A_289 : f32 to vector<16xf32>
      %sub3A_291 = arith.subf %sub3A_290, %mul3A_288 : vector<16xf32>
      %mul3A_292 = arith.mulf %mul3A_283, %sub3A_291 : vector<16xf32>
      %mul3A_293 = arith.constant 16 : i32
      %mul3A_294 = arith.muli %scan3A_78, %mul3A_293 : i32
      %get3A = arith.index_cast %mul3A_294 : i32 to index
      %get3A_295 = tpu.vector_load %arg9[%get3A] {strides = array<i32>} : memref<256xi32, #tpu.memory_space<vmem>>, vector<16xi32>,
      %mul3A_296 = arith.constant 16 : i32
      %mul3A_297 = vector.broadcast %mul3A_296 : i32 to vector<16xi32>
      %mul3A_298 = arith.muli %get3A_295, %mul3A_297 : vector<16xi32>
      %add3A_299 = arith.constant 0 : i32
      %add3A_300 = vector.broadcast %add3A_299 : i32 to vector<16xi32>
      %add3A_301 = arith.addi %mul3A_298, %add3A_300 : vector<16xi32>
      %mul3A_302 = arith.mulf %exp3A, %mul3A_292 : vector<16xf32>
      tpu.vector_store_idx %arg10[%add3A_301], %mul3A_302 {add = true} : memref<256xf32, #tpu.memory_space<vmem>>[vector<16xi32>], vector<16xf32>,
      %add3A_303 = arith.constant 1 : i32
      %add3A_304 = vector.broadcast %add3A_303 : i32 to vector<16xi32>
      %add3A_305 = arith.addi %mul3A_298, %add3A_304 : vector<16xi32>
      %mul3A_306 = arith.mulf %exp3A_165, %mul3A_292 : vector<16xf32>
      tpu.vector_store_idx %arg10[%add3A_305], %mul3A_306 {add = true} : memref<256xf32, #tpu.memory_space<vmem>>[vector<16xi32>], vector<16xf32>,
      %add3A_307 = arith.constant 2 : i32
      %add3A_308 = vector.broadcast %add3A_307 : i32 to vector<16xi32>
      %add3A_309 = arith.addi %mul3A_298, %add3A_308 : vector<16xi32>
      %mul3A_310 = arith.mulf %exp3A_170, %mul3A_292 : vector<16xf32>
      tpu.vector_store_idx %arg10[%add3A_309], %mul3A_310 {add = true} : memref<256xf32, #tpu.memory_space<vmem>>[vector<16xi32>], vector<16xf32>,
      %add3A_311 = arith.constant 3 : i32
      %add3A_312 = vector.broadcast %add3A_311 : i32 to vector<16xi32>
      %add3A_313 = arith.addi %mul3A_298, %add3A_312 : vector<16xi32>
      %mul3A_314 = arith.mulf %exp3A_175, %mul3A_292 : vector<16xf32>
      tpu.vector_store_idx %arg10[%add3A_313], %mul3A_314 {add = true} : memref<256xf32, #tpu.memory_space<vmem>>[vector<16xi32>], vector<16xf32>,
      %add3A_315 = arith.constant 4 : i32
      %add3A_316 = vector.broadcast %add3A_315 : i32 to vector<16xi32>
      %add3A_317 = arith.addi %mul3A_298, %add3A_316 : vector<16xi32>
      %mul3A_318 = arith.mulf %exp3A_180, %mul3A_292 : vector<16xf32>
      tpu.vector_store_idx %arg10[%add3A_317], %mul3A_318 {add = true} : memref<256xf32, #tpu.memory_space<vmem>>[vector<16xi32>], vector<16xf32>,
      %add3A_319 = arith.constant 5 : i32
      %add3A_320 = vector.broadcast %add3A_319 : i32 to vector<16xi32>
      %add3A_321 = arith.addi %mul3A_298, %add3A_320 : vector<16xi32>
      %mul3A_322 = arith.mulf %exp3A_185, %mul3A_292 : vector<16xf32>
      tpu.vector_store_idx %arg10[%add3A_321], %mul3A_322 {add = true} : memref<256xf32, #tpu.memory_space<vmem>>[vector<16xi32>], vector<16xf32>,
      %add3A_323 = arith.constant 6 : i32
      %add3A_324 = vector.broadcast %add3A_323 : i32 to vector<16xi32>
      %add3A_325 = arith.addi %mul3A_298, %add3A_324 : vector<16xi32>
      %mul3A_326 = arith.mulf %exp3A_190, %mul3A_292 : vector<16xf32>
      tpu.vector_store_idx %arg10[%add3A_325], %mul3A_326 {add = true} : memref<256xf32, #tpu.memory_space<vmem>>[vector<16xi32>], vector<16xf32>,
      %add3A_327 = arith.constant 7 : i32
      %add3A_328 = vector.broadcast %add3A_327 : i32 to vector<16xi32>
      %add3A_329 = arith.addi %mul3A_298, %add3A_328 : vector<16xi32>
      %mul3A_330 = arith.mulf %exp3A_195, %mul3A_292 : vector<16xf32>
      tpu.vector_store_idx %arg10[%add3A_329], %mul3A_330 {add = true} : memref<256xf32, #tpu.memory_space<vmem>>[vector<16xi32>], vector<16xf32>,
      %add3A_331 = arith.constant 8 : i32
      %add3A_332 = vector.broadcast %add3A_331 : i32 to vector<16xi32>
      %add3A_333 = arith.addi %mul3A_298, %add3A_332 : vector<16xi32>
      %mul3A_334 = arith.mulf %exp3A_200, %mul3A_292 : vector<16xf32>
      tpu.vector_store_idx %arg10[%add3A_333], %mul3A_334 {add = true} : memref<256xf32, #tpu.memory_space<vmem>>[vector<16xi32>], vector<16xf32>,
      %add3A_335 = arith.constant 9 : i32
      %add3A_336 = vector.broadcast %add3A_335 : i32 to vector<16xi32>
      %add3A_337 = arith.addi %mul3A_298, %add3A_336 : vector<16xi32>
      %mul3A_338 = arith.mulf %exp3A_205, %mul3A_292 : vector<16xf32>
      tpu.vector_store_idx %arg10[%add3A_337], %mul3A_338 {add = true} : memref<256xf32, #tpu.memory_space<vmem>>[vector<16xi32>], vector<16xf32>,
      %add3A_339 = arith.constant 10 : i32
      %add3A_340 = vector.broadcast %add3A_339 : i32 to vector<16xi32>
      %add3A_341 = arith.addi %mul3A_298, %add3A_340 : vector<16xi32>
      %mul3A_342 = arith.mulf %exp3A_210, %mul3A_292 : vector<16xf32>
      tpu.vector_store_idx %arg10[%add3A_341], %mul3A_342 {add = true} : memref<256xf32, #tpu.memory_space<vmem>>[vector<16xi32>], vector<16xf32>,
      %add3A_343 = arith.constant 11 : i32
      %add3A_344 = vector.broadcast %add3A_343 : i32 to vector<16xi32>
      %add3A_345 = arith.addi %mul3A_298, %add3A_344 : vector<16xi32>
      %mul3A_346 = arith.mulf %exp3A_215, %mul3A_292 : vector<16xf32>
      tpu.vector_store_idx %arg10[%add3A_345], %mul3A_346 {add = true} : memref<256xf32, #tpu.memory_space<vmem>>[vector<16xi32>], vector<16xf32>,
      %add3A_347 = arith.constant 12 : i32
      %add3A_348 = vector.broadcast %add3A_347 : i32 to vector<16xi32>
      %add3A_349 = arith.addi %mul3A_298, %add3A_348 : vector<16xi32>
      %mul3A_350 = arith.mulf %exp3A_220, %mul3A_292 : vector<16xf32>
      tpu.vector_store_idx %arg10[%add3A_349], %mul3A_350 {add = true} : memref<256xf32, #tpu.memory_space<vmem>>[vector<16xi32>], vector<16xf32>,
      %add3A_351 = arith.constant 13 : i32
      %add3A_352 = vector.broadcast %add3A_351 : i32 to vector<16xi32>
      %add3A_353 = arith.addi %mul3A_298, %add3A_352 : vector<16xi32>
      %mul3A_354 = arith.mulf %exp3A_225, %mul3A_292 : vector<16xf32>
      tpu.vector_store_idx %arg10[%add3A_353], %mul3A_354 {add = true} : memref<256xf32, #tpu.memory_space<vmem>>[vector<16xi32>], vector<16xf32>,
      %add3A_355 = arith.constant 14 : i32
      %add3A_356 = vector.broadcast %add3A_355 : i32 to vector<16xi32>
      %add3A_357 = arith.addi %mul3A_298, %add3A_356 : vector<16xi32>
      %mul3A_358 = arith.mulf %exp3A_230, %mul3A_292 : vector<16xf32>
      tpu.vector_store_idx %arg10[%add3A_357], %mul3A_358 {add = true} : memref<256xf32, #tpu.memory_space<vmem>>[vector<16xi32>], vector<16xf32>,
      %add3A_359 = arith.constant 15 : i32
      %add3A_360 = vector.broadcast %add3A_359 : i32 to vector<16xi32>
      %add3A_361 = arith.addi %mul3A_298, %add3A_360 : vector<16xi32>
      tpu.vector_store_idx %arg10[%add3A_361], %broadcast_in_dim3A_72 {add = true} : memref<256xf32, #tpu.memory_space<vmem>>[vector<16xi32>], vector<16xf32>,
      %add3A_362 = arith.constant 0 : i32
      %add3A_363 = vector.broadcast %add3A_362 : i32 to vector<16xi32>
      %add3A_364 = arith.addi %mul3A_85, %add3A_363 : vector<16xi32>
      %gather3A_365 = tpu.vector_load_idx %arg8[%add3A_364] : memref<4096xf32, #tpu.memory_space<vmem>>[vector<16xi32>], vector<16xf32>,
      %add3A_366 = arith.constant 1 : i32
      %add3A_367 = vector.broadcast %add3A_366 : i32 to vector<16xi32>
      %add3A_368 = arith.addi %mul3A_85, %add3A_367 : vector<16xi32>
      %gather3A_369 = tpu.vector_load_idx %arg8[%add3A_368] : memref<4096xf32, #tpu.memory_space<vmem>>[vector<16xi32>], vector<16xf32>,
      %add3A_370 = arith.constant 2 : i32
      %add3A_371 = vector.broadcast %add3A_370 : i32 to vector<16xi32>
      %add3A_372 = arith.addi %mul3A_85, %add3A_371 : vector<16xi32>
      %gather3A_373 = tpu.vector_load_idx %arg8[%add3A_372] : memref<4096xf32, #tpu.memory_space<vmem>>[vector<16xi32>], vector<16xf32>,
      %add3A_374 = arith.constant 3 : i32
      %add3A_375 = vector.broadcast %add3A_374 : i32 to vector<16xi32>
      %add3A_376 = arith.addi %mul3A_85, %add3A_375 : vector<16xi32>
      %gather3A_377 = tpu.vector_load_idx %arg8[%add3A_376] : memref<4096xf32, #tpu.memory_space<vmem>>[vector<16xi32>], vector<16xf32>,
      %add3A_378 = arith.constant 4 : i32
      %add3A_379 = vector.broadcast %add3A_378 : i32 to vector<16xi32>
      %add3A_380 = arith.addi %mul3A_85, %add3A_379 : vector<16xi32>
      %gather3A_381 = tpu.vector_load_idx %arg8[%add3A_380] : memref<4096xf32, #tpu.memory_space<vmem>>[vector<16xi32>], vector<16xf32>,
      %add3A_382 = arith.constant 5 : i32
      %add3A_383 = vector.broadcast %add3A_382 : i32 to vector<16xi32>
      %add3A_384 = arith.addi %mul3A_85, %add3A_383 : vector<16xi32>
      %gather3A_385 = tpu.vector_load_idx %arg8[%add3A_384] : memref<4096xf32, #tpu.memory_space<vmem>>[vector<16xi32>], vector<16xf32>,
      %add3A_386 = arith.constant 6 : i32
      %add3A_387 = vector.broadcast %add3A_386 : i32 to vector<16xi32>
      %add3A_388 = arith.addi %mul3A_85, %add3A_387 : vector<16xi32>
      %gather3A_389 = tpu.vector_load_idx %arg8[%add3A_388] : memref<4096xf32, #tpu.memory_space<vmem>>[vector<16xi32>], vector<16xf32>,
      %add3A_390 = arith.constant 7 : i32
      %add3A_391 = vector.broadcast %add3A_390 : i32 to vector<16xi32>
      %add3A_392 = arith.addi %mul3A_85, %add3A_391 : vector<16xi32>
      %gather3A_393 = tpu.vector_load_idx %arg8[%add3A_392] : memref<4096xf32, #tpu.memory_space<vmem>>[vector<16xi32>], vector<16xf32>,
      %add3A_394 = arith.constant 8 : i32
      %add3A_395 = vector.broadcast %add3A_394 : i32 to vector<16xi32>
      %add3A_396 = arith.addi %mul3A_85, %add3A_395 : vector<16xi32>
      %gather3A_397 = tpu.vector_load_idx %arg8[%add3A_396] : memref<4096xf32, #tpu.memory_space<vmem>>[vector<16xi32>], vector<16xf32>,
      %add3A_398 = arith.constant 9 : i32
      %add3A_399 = vector.broadcast %add3A_398 : i32 to vector<16xi32>
      %add3A_400 = arith.addi %mul3A_85, %add3A_399 : vector<16xi32>
      %gather3A_401 = tpu.vector_load_idx %arg8[%add3A_400] : memref<4096xf32, #tpu.memory_space<vmem>>[vector<16xi32>], vector<16xf32>,
      %add3A_402 = arith.constant 10 : i32
      %add3A_403 = vector.broadcast %add3A_402 : i32 to vector<16xi32>
      %add3A_404 = arith.addi %mul3A_85, %add3A_403 : vector<16xi32>
      %gather3A_405 = tpu.vector_load_idx %arg8[%add3A_404] : memref<4096xf32, #tpu.memory_space<vmem>>[vector<16xi32>], vector<16xf32>,
      %add3A_406 = arith.constant 11 : i32
      %add3A_407 = vector.broadcast %add3A_406 : i32 to vector<16xi32>
      %add3A_408 = arith.addi %mul3A_85, %add3A_407 : vector<16xi32>
      %gather3A_409 = tpu.vector_load_idx %arg8[%add3A_408] : memref<4096xf32, #tpu.memory_space<vmem>>[vector<16xi32>], vector<16xf32>,
      %add3A_410 = arith.constant 12 : i32
      %add3A_411 = vector.broadcast %add3A_410 : i32 to vector<16xi32>
      %add3A_412 = arith.addi %mul3A_85, %add3A_411 : vector<16xi32>
      %gather3A_413 = tpu.vector_load_idx %arg8[%add3A_412] : memref<4096xf32, #tpu.memory_space<vmem>>[vector<16xi32>], vector<16xf32>,
      %add3A_414 = arith.constant 13 : i32
      %add3A_415 = vector.broadcast %add3A_414 : i32 to vector<16xi32>
      %add3A_416 = arith.addi %mul3A_85, %add3A_415 : vector<16xi32>
      %gather3A_417 = tpu.vector_load_idx %arg8[%add3A_416] : memref<4096xf32, #tpu.memory_space<vmem>>[vector<16xi32>], vector<16xf32>,
      %add3A_418 = arith.constant 14 : i32
      %add3A_419 = vector.broadcast %add3A_418 : i32 to vector<16xi32>
      %add3A_420 = arith.addi %mul3A_85, %add3A_419 : vector<16xi32>
      %gather3A_421 = tpu.vector_load_idx %arg8[%add3A_420] : memref<4096xf32, #tpu.memory_space<vmem>>[vector<16xi32>], vector<16xf32>,
      %max3A_422 = arith.maximumf %gather3A_365, %gather3A_369 : vector<16xf32>
      %max3A_423 = arith.maximumf %max3A_422, %gather3A_373 : vector<16xf32>
      %max3A_424 = arith.maximumf %max3A_423, %gather3A_377 : vector<16xf32>
      %max3A_425 = arith.maximumf %max3A_424, %gather3A_381 : vector<16xf32>
      %max3A_426 = arith.maximumf %max3A_425, %gather3A_385 : vector<16xf32>
      %max3A_427 = arith.maximumf %max3A_426, %gather3A_389 : vector<16xf32>
      %max3A_428 = arith.maximumf %max3A_427, %gather3A_393 : vector<16xf32>
      %max3A_429 = arith.maximumf %max3A_428, %gather3A_397 : vector<16xf32>
      %max3A_430 = arith.maximumf %max3A_429, %gather3A_401 : vector<16xf32>
      %max3A_431 = arith.maximumf %max3A_430, %gather3A_405 : vector<16xf32>
      %max3A_432 = arith.maximumf %max3A_431, %gather3A_409 : vector<16xf32>
      %max3A_433 = arith.maximumf %max3A_432, %gather3A_413 : vector<16xf32>
      %max3A_434 = arith.maximumf %max3A_433, %gather3A_417 : vector<16xf32>
      %max3A_435 = arith.maximumf %max3A_434, %gather3A_421 : vector<16xf32>
      %sub3A_436 = arith.subf %gather3A_365, %max3A_435 : vector<16xf32>
      %exp3A_437 = math.exp %sub3A_436 : vector<16xf32>
      %sub3A_438 = arith.subf %gather3A_369, %max3A_435 : vector<16xf32>
      %exp3A_439 = math.exp %sub3A_438 : vector<16xf32>
      %add3A_440 = arith.addf %exp3A_437, %exp3A_439 : vector<16xf32>
      %sub3A_441 = arith.subf %gather3A_373, %max3A_435 : vector<16xf32>
      %exp3A_442 = math.exp %sub3A_441 : vector<16xf32>
      %add3A_443 = arith.addf %add3A_440, %exp3A_442 : vector<16xf32>
      %sub3A_444 = arith.subf %gather3A_377, %max3A_435 : vector<16xf32>
      %exp3A_445 = math.exp %sub3A_444 : vector<16xf32>
      %add3A_446 = arith.addf %add3A_443, %exp3A_445 : vector<16xf32>
      %sub3A_447 = arith.subf %gather3A_381, %max3A_435 : vector<16xf32>
      %exp3A_448 = math.exp %sub3A_447 : vector<16xf32>
      %add3A_449 = arith.addf %add3A_446, %exp3A_448 : vector<16xf32>
      %sub3A_450 = arith.subf %gather3A_385, %max3A_435 : vector<16xf32>
      %exp3A_451 = math.exp %sub3A_450 : vector<16xf32>
      %add3A_452 = arith.addf %add3A_449, %exp3A_451 : vector<16xf32>
      %sub3A_453 = arith.subf %gather3A_389, %max3A_435 : vector<16xf32>
      %exp3A_454 = math.exp %sub3A_453 : vector<16xf32>
      %add3A_455 = arith.addf %add3A_452, %exp3A_454 : vector<16xf32>
      %sub3A_456 = arith.subf %gather3A_393, %max3A_435 : vector<16xf32>
      %exp3A_457 = math.exp %sub3A_456 : vector<16xf32>
      %add3A_458 = arith.addf %add3A_455, %exp3A_457 : vector<16xf32>
      %sub3A_459 = arith.subf %gather3A_397, %max3A_435 : vector<16xf32>
      %exp3A_460 = math.exp %sub3A_459 : vector<16xf32>
      %add3A_461 = arith.addf %add3A_458, %exp3A_460 : vector<16xf32>
      %sub3A_462 = arith.subf %gather3A_401, %max3A_435 : vector<16xf32>
      %exp3A_463 = math.exp %sub3A_462 : vector<16xf32>
      %add3A_464 = arith.addf %add3A_461, %exp3A_463 : vector<16xf32>
      %sub3A_465 = arith.subf %gather3A_405, %max3A_435 : vector<16xf32>
      %exp3A_466 = math.exp %sub3A_465 : vector<16xf32>
      %add3A_467 = arith.addf %add3A_464, %exp3A_466 : vector<16xf32>
      %sub3A_468 = arith.subf %gather3A_409, %max3A_435 : vector<16xf32>
      %exp3A_469 = math.exp %sub3A_468 : vector<16xf32>
      %add3A_470 = arith.addf %add3A_467, %exp3A_469 : vector<16xf32>
      %sub3A_471 = arith.subf %gather3A_413, %max3A_435 : vector<16xf32>
      %exp3A_472 = math.exp %sub3A_471 : vector<16xf32>
      %add3A_473 = arith.addf %add3A_470, %exp3A_472 : vector<16xf32>
      %sub3A_474 = arith.subf %gather3A_417, %max3A_435 : vector<16xf32>
      %exp3A_475 = math.exp %sub3A_474 : vector<16xf32>
      %add3A_476 = arith.addf %add3A_473, %exp3A_475 : vector<16xf32>
      %sub3A_477 = arith.subf %gather3A_421, %max3A_435 : vector<16xf32>
      %exp3A_478 = math.exp %sub3A_477 : vector<16xf32>
      %add3A_479 = arith.addf %add3A_476, %exp3A_478 : vector<16xf32>
      %lt3A = arith.constant 1.250000e+00 : f32
      %lt3A_480 = vector.broadcast %lt3A : f32 to vector<16xf32>
      %lt3A_481 = arith.cmpf olt, %add3A_479, %lt3A_480 : vector<16xf32>
      %jit3A = arith.constant 1.000000e+00 : f32
      %jit3A_482 = arith.constant 0.000000e+00 : f32
      %broadcast_in_dim3A_483 = vector.broadcast %jit3A : f32 to vector<16xf32>
      %broadcast_in_dim3A_484 = vector.broadcast %jit3A_482 : f32 to vector<16xf32>
      %select_n3A = arith.select %lt3A_481, %broadcast_in_dim3A_483, %broadcast_in_dim3A_484 : vector<16xi1>, vector<16xf32>
      %sub3A_485 = arith.subf %gather3A_365, %max3A_435 : vector<16xf32>
      %mul3A_486 = arith.constant 1.000000e-01 : f32
      %mul3A_487 = vector.broadcast %mul3A_486 : f32 to vector<16xf32>
      %mul3A_488 = arith.mulf %sub3A_485, %mul3A_487 : vector<16xf32>
      %exp3A_489 = math.exp %mul3A_488 : vector<16xf32>
      %sub3A_490 = arith.subf %gather3A_369, %max3A_435 : vector<16xf32>
      %mul3A_491 = arith.constant 1.000000e-01 : f32
      %mul3A_492 = vector.broadcast %mul3A_491 : f32 to vector<16xf32>
      %mul3A_493 = arith.mulf %sub3A_490, %mul3A_492 : vector<16xf32>
      %exp3A_494 = math.exp %mul3A_493 : vector<16xf32>
      %sub3A_495 = arith.subf %gather3A_373, %max3A_435 : vector<16xf32>
      %mul3A_496 = arith.constant 1.000000e-01 : f32
      %mul3A_497 = vector.broadcast %mul3A_496 : f32 to vector<16xf32>
      %mul3A_498 = arith.mulf %sub3A_495, %mul3A_497 : vector<16xf32>
      %exp3A_499 = math.exp %mul3A_498 : vector<16xf32>
      %sub3A_500 = arith.subf %gather3A_377, %max3A_435 : vector<16xf32>
      %mul3A_501 = arith.constant 1.000000e-01 : f32
      %mul3A_502 = vector.broadcast %mul3A_501 : f32 to vector<16xf32>
      %mul3A_503 = arith.mulf %sub3A_500, %mul3A_502 : vector<16xf32>
      %exp3A_504 = math.exp %mul3A_503 : vector<16xf32>
      %sub3A_505 = arith.subf %gather3A_381, %max3A_435 : vector<16xf32>
      %mul3A_506 = arith.constant 1.000000e-01 : f32
      %mul3A_507 = vector.broadcast %mul3A_506 : f32 to vector<16xf32>
      %mul3A_508 = arith.mulf %sub3A_505, %mul3A_507 : vector<16xf32>
      %exp3A_509 = math.exp %mul3A_508 : vector<16xf32>
      %sub3A_510 = arith.subf %gather3A_385, %max3A_435 : vector<16xf32>
      %mul3A_511 = arith.constant 1.000000e-01 : f32
      %mul3A_512 = vector.broadcast %mul3A_511 : f32 to vector<16xf32>
      %mul3A_513 = arith.mulf %sub3A_510, %mul3A_512 : vector<16xf32>
      %exp3A_514 = math.exp %mul3A_513 : vector<16xf32>
      %sub3A_515 = arith.subf %gather3A_389, %max3A_435 : vector<16xf32>
      %mul3A_516 = arith.constant 1.000000e-01 : f32
      %mul3A_517 = vector.broadcast %mul3A_516 : f32 to vector<16xf32>
      %mul3A_518 = arith.mulf %sub3A_515, %mul3A_517 : vector<16xf32>
      %exp3A_519 = math.exp %mul3A_518 : vector<16xf32>
      %sub3A_520 = arith.subf %gather3A_393, %max3A_435 : vector<16xf32>
      %mul3A_521 = arith.constant 1.000000e-01 : f32
      %mul3A_522 = vector.broadcast %mul3A_521 : f32 to vector<16xf32>
      %mul3A_523 = arith.mulf %sub3A_520, %mul3A_522 : vector<16xf32>
      %exp3A_524 = math.exp %mul3A_523 : vector<16xf32>
      %sub3A_525 = arith.subf %gather3A_397, %max3A_435 : vector<16xf32>
      %mul3A_526 = arith.constant 1.000000e-01 : f32
      %mul3A_527 = vector.broadcast %mul3A_526 : f32 to vector<16xf32>
      %mul3A_528 = arith.mulf %sub3A_525, %mul3A_527 : vector<16xf32>
      %exp3A_529 = math.exp %mul3A_528 : vector<16xf32>
      %sub3A_530 = arith.subf %gather3A_401, %max3A_435 : vector<16xf32>
      %mul3A_531 = arith.constant 1.000000e-01 : f32
      %mul3A_532 = vector.broadcast %mul3A_531 : f32 to vector<16xf32>
      %mul3A_533 = arith.mulf %sub3A_530, %mul3A_532 : vector<16xf32>
      %exp3A_534 = math.exp %mul3A_533 : vector<16xf32>
      %sub3A_535 = arith.subf %gather3A_405, %max3A_435 : vector<16xf32>
      %mul3A_536 = arith.constant 1.000000e-01 : f32
      %mul3A_537 = vector.broadcast %mul3A_536 : f32 to vector<16xf32>
      %mul3A_538 = arith.mulf %sub3A_535, %mul3A_537 : vector<16xf32>
      %exp3A_539 = math.exp %mul3A_538 : vector<16xf32>
      %sub3A_540 = arith.subf %gather3A_409, %max3A_435 : vector<16xf32>
      %mul3A_541 = arith.constant 1.000000e-01 : f32
      %mul3A_542 = vector.broadcast %mul3A_541 : f32 to vector<16xf32>
      %mul3A_543 = arith.mulf %sub3A_540, %mul3A_542 : vector<16xf32>
      %exp3A_544 = math.exp %mul3A_543 : vector<16xf32>
      %sub3A_545 = arith.subf %gather3A_413, %max3A_435 : vector<16xf32>
      %mul3A_546 = arith.constant 1.000000e-01 : f32
      %mul3A_547 = vector.broadcast %mul3A_546 : f32 to vector<16xf32>
      %mul3A_548 = arith.mulf %sub3A_545, %mul3A_547 : vector<16xf32>
      %exp3A_549 = math.exp %mul3A_548 : vector<16xf32>
      %sub3A_550 = arith.subf %gather3A_417, %max3A_435 : vector<16xf32>
      %mul3A_551 = arith.constant 1.000000e-01 : f32
      %mul3A_552 = vector.broadcast %mul3A_551 : f32 to vector<16xf32>
      %mul3A_553 = arith.mulf %sub3A_550, %mul3A_552 : vector<16xf32>
      %exp3A_554 = math.exp %mul3A_553 : vector<16xf32>
      %sub3A_555 = arith.subf %gather3A_421, %max3A_435 : vector<16xf32>
      %mul3A_556 = arith.constant 1.000000e-01 : f32
      %mul3A_557 = vector.broadcast %mul3A_556 : f32 to vector<16xf32>
      %mul3A_558 = arith.mulf %sub3A_555, %mul3A_557 : vector<16xf32>
      %exp3A_559 = math.exp %mul3A_558 : vector<16xf32>
      %mul3A_560 = arith.mulf %exp3A_489, %exp3A_489 : vector<16xf32>
      %mul3A_561 = arith.mulf %exp3A_494, %exp3A_494 : vector<16xf32>
      %add3A_562 = arith.addf %mul3A_560, %mul3A_561 : vector<16xf32>
      %mul3A_563 = arith.mulf %exp3A_499, %exp3A_499 : vector<16xf32>
      %add3A_564 = arith.addf %add3A_562, %mul3A_563 : vector<16xf32>
      %mul3A_565 = arith.mulf %exp3A_504, %exp3A_504 : vector<16xf32>
      %add3A_566 = arith.addf %add3A_564, %mul3A_565 : vector<16xf32>
      %mul3A_567 = arith.mulf %exp3A_509, %exp3A_509 : vector<16xf32>
      %add3A_568 = arith.addf %add3A_566, %mul3A_567 : vector<16xf32>
      %mul3A_569 = arith.mulf %exp3A_514, %exp3A_514 : vector<16xf32>
      %add3A_570 = arith.addf %add3A_568, %mul3A_569 : vector<16xf32>
      %mul3A_571 = arith.mulf %exp3A_519, %exp3A_519 : vector<16xf32>
      %add3A_572 = arith.addf %add3A_570, %mul3A_571 : vector<16xf32>
      %mul3A_573 = arith.mulf %exp3A_524, %exp3A_524 : vector<16xf32>
      %add3A_574 = arith.addf %add3A_572, %mul3A_573 : vector<16xf32>
      %mul3A_575 = arith.mulf %exp3A_529, %exp3A_529 : vector<16xf32>
      %add3A_576 = arith.addf %add3A_574, %mul3A_575 : vector<16xf32>
      %mul3A_577 = arith.mulf %exp3A_534, %exp3A_534 : vector<16xf32>
      %add3A_578 = arith.addf %add3A_576, %mul3A_577 : vector<16xf32>
      %mul3A_579 = arith.mulf %exp3A_539, %exp3A_539 : vector<16xf32>
      %add3A_580 = arith.addf %add3A_578, %mul3A_579 : vector<16xf32>
      %mul3A_581 = arith.mulf %exp3A_544, %exp3A_544 : vector<16xf32>
      %add3A_582 = arith.addf %add3A_580, %mul3A_581 : vector<16xf32>
      %mul3A_583 = arith.mulf %exp3A_549, %exp3A_549 : vector<16xf32>
      %add3A_584 = arith.addf %add3A_582, %mul3A_583 : vector<16xf32>
      %mul3A_585 = arith.mulf %exp3A_554, %exp3A_554 : vector<16xf32>
      %add3A_586 = arith.addf %add3A_584, %mul3A_585 : vector<16xf32>
      %mul3A_587 = arith.mulf %exp3A_559, %exp3A_559 : vector<16xf32>
      %add3A_588 = arith.addf %add3A_586, %mul3A_587 : vector<16xf32>
      %bitcast3A_589 = vector.bitcast %add3A_588 : vector<16xf32> to vector<16xi32>
      %shift_right_arithmetic3A_590 = arith.constant 1 : i32
      %shift_right_arithmetic3A_591 = vector.broadcast %shift_right_arithmetic3A_590 : i32 to vector<16xi32>
      %shift_right_arithmetic3A_592 = arith.shrsi %bitcast3A_589, %shift_right_arithmetic3A_591 : vector<16xi32>
      %sub3A_593 = arith.constant 1597463007 : i32
      %sub3A_594 = vector.broadcast %sub3A_593 : i32 to vector<16xi32>
      %sub3A_595 = arith.subi %sub3A_594, %shift_right_arithmetic3A_592 : vector<16xi32>
      %bitcast3A_596 = vector.bitcast %sub3A_595 : vector<16xi32> to vector<16xf32>
      %mul3A_597 = arith.constant 5.000000e-01 : f32
      %mul3A_598 = vector.broadcast %mul3A_597 : f32 to vector<16xf32>
      %mul3A_599 = arith.mulf %mul3A_598, %add3A_588 : vector<16xf32>
      %mul3A_600 = arith.mulf %mul3A_599, %bitcast3A_596 : vector<16xf32>
      %mul3A_601 = arith.mulf %mul3A_600, %bitcast3A_596 : vector<16xf32>
      %sub3A_602 = arith.constant 1.500000e+00 : f32
      %sub3A_603 = vector.broadcast %sub3A_602 : f32 to vector<16xf32>
      %sub3A_604 = arith.subf %sub3A_603, %mul3A_601 : vector<16xf32>
      %mul3A_605 = arith.mulf %bitcast3A_596, %sub3A_604 : vector<16xf32>
      %mul3A_606 = arith.constant 5.000000e-01 : f32
      %mul3A_607 = vector.broadcast %mul3A_606 : f32 to vector<16xf32>
      %mul3A_608 = arith.mulf %mul3A_607, %add3A_588 : vector<16xf32>
      %mul3A_609 = arith.mulf %mul3A_608, %mul3A_605 : vector<16xf32>
      %mul3A_610 = arith.mulf %mul3A_609, %mul3A_605 : vector<16xf32>
      %sub3A_611 = arith.constant 1.500000e+00 : f32
      %sub3A_612 = vector.broadcast %sub3A_611 : f32 to vector<16xf32>
      %sub3A_613 = arith.subf %sub3A_612, %mul3A_610 : vector<16xf32>
      %mul3A_614 = arith.mulf %mul3A_605, %sub3A_613 : vector<16xf32>
      %mul3A_615 = arith.constant 5.000000e-01 : f32
      %mul3A_616 = vector.broadcast %mul3A_615 : f32 to vector<16xf32>
      %mul3A_617 = arith.mulf %mul3A_616, %add3A_588 : vector<16xf32>
      %mul3A_618 = arith.mulf %mul3A_617, %mul3A_614 : vector<16xf32>
      %mul3A_619 = arith.mulf %mul3A_618, %mul3A_614 : vector<16xf32>
      %sub3A_620 = arith.constant 1.500000e+00 : f32
      %sub3A_621 = vector.broadcast %sub3A_620 : f32 to vector<16xf32>
      %sub3A_622 = arith.subf %sub3A_621, %mul3A_619 : vector<16xf32>
      %mul3A_623 = arith.mulf %mul3A_614, %sub3A_622 : vector<16xf32>
      %mul3A_624 = arith.mulf %mul3A_623, %select_n3A : vector<16xf32>
      %broadcast_in_dim3A_625 = arith.constant 15 : i32
      %broadcast_in_dim3A_626 = vector.broadcast %broadcast_in_dim3A_625 : i32 to vector<16xi32>
      %eq3A = arith.cmpf oeq, %gather3A_421, %max3A_435 : vector<16xf32>
      %jit3A_627 = arith.constant 14 : i32
      %broadcast_in_dim3A_628 = vector.broadcast %jit3A_627 : i32 to vector<16xi32>
      %select_n3A_629 = arith.select %eq3A, %broadcast_in_dim3A_628, %broadcast_in_dim3A_626 : vector<16xi1>, vector<16xi32>
      %eq3A_630 = arith.cmpf oeq, %gather3A_417, %max3A_435 : vector<16xf32>
      %jit3A_631 = arith.constant 13 : i32
      %broadcast_in_dim3A_632 = vector.broadcast %jit3A_631 : i32 to vector<16xi32>
      %select_n3A_633 = arith.select %eq3A_630, %broadcast_in_dim3A_632, %select_n3A_629 : vector<16xi1>, vector<16xi32>
      %eq3A_634 = arith.cmpf oeq, %gather3A_413, %max3A_435 : vector<16xf32>
      %jit3A_635 = arith.constant 12 : i32
      %broadcast_in_dim3A_636 = vector.broadcast %jit3A_635 : i32 to vector<16xi32>
      %select_n3A_637 = arith.select %eq3A_634, %broadcast_in_dim3A_636, %select_n3A_633 : vector<16xi1>, vector<16xi32>
      %eq3A_638 = arith.cmpf oeq, %gather3A_409, %max3A_435 : vector<16xf32>
      %jit3A_639 = arith.constant 11 : i32
      %broadcast_in_dim3A_640 = vector.broadcast %jit3A_639 : i32 to vector<16xi32>
      %select_n3A_641 = arith.select %eq3A_638, %broadcast_in_dim3A_640, %select_n3A_637 : vector<16xi1>, vector<16xi32>
      %eq3A_642 = arith.cmpf oeq, %gather3A_405, %max3A_435 : vector<16xf32>
      %jit3A_643 = arith.constant 10 : i32
      %broadcast_in_dim3A_644 = vector.broadcast %jit3A_643 : i32 to vector<16xi32>
      %select_n3A_645 = arith.select %eq3A_642, %broadcast_in_dim3A_644, %select_n3A_641 : vector<16xi1>, vector<16xi32>
      %eq3A_646 = arith.cmpf oeq, %gather3A_401, %max3A_435 : vector<16xf32>
      %jit3A_647 = arith.constant 9 : i32
      %broadcast_in_dim3A_648 = vector.broadcast %jit3A_647 : i32 to vector<16xi32>
      %select_n3A_649 = arith.select %eq3A_646, %broadcast_in_dim3A_648, %select_n3A_645 : vector<16xi1>, vector<16xi32>
      %eq3A_650 = arith.cmpf oeq, %gather3A_397, %max3A_435 : vector<16xf32>
      %jit3A_651 = arith.constant 8 : i32
      %broadcast_in_dim3A_652 = vector.broadcast %jit3A_651 : i32 to vector<16xi32>
      %select_n3A_653 = arith.select %eq3A_650, %broadcast_in_dim3A_652, %select_n3A_649 : vector<16xi1>, vector<16xi32>
      %eq3A_654 = arith.cmpf oeq, %gather3A_393, %max3A_435 : vector<16xf32>
      %jit3A_655 = arith.constant 7 : i32
      %broadcast_in_dim3A_656 = vector.broadcast %jit3A_655 : i32 to vector<16xi32>
      %select_n3A_657 = arith.select %eq3A_654, %broadcast_in_dim3A_656, %select_n3A_653 : vector<16xi1>, vector<16xi32>
      %eq3A_658 = arith.cmpf oeq, %gather3A_389, %max3A_435 : vector<16xf32>
      %jit3A_659 = arith.constant 6 : i32
      %broadcast_in_dim3A_660 = vector.broadcast %jit3A_659 : i32 to vector<16xi32>
      %select_n3A_661 = arith.select %eq3A_658, %broadcast_in_dim3A_660, %select_n3A_657 : vector<16xi1>, vector<16xi32>
      %eq3A_662 = arith.cmpf oeq, %gather3A_385, %max3A_435 : vector<16xf32>
      %jit3A_663 = arith.constant 5 : i32
      %broadcast_in_dim3A_664 = vector.broadcast %jit3A_663 : i32 to vector<16xi32>
      %select_n3A_665 = arith.select %eq3A_662, %broadcast_in_dim3A_664, %select_n3A_661 : vector<16xi1>, vector<16xi32>
      %eq3A_666 = arith.cmpf oeq, %gather3A_381, %max3A_435 : vector<16xf32>
      %jit3A_667 = arith.constant 4 : i32
      %broadcast_in_dim3A_668 = vector.broadcast %jit3A_667 : i32 to vector<16xi32>
      %select_n3A_669 = arith.select %eq3A_666, %broadcast_in_dim3A_668, %select_n3A_665 : vector<16xi1>, vector<16xi32>
      %eq3A_670 = arith.cmpf oeq, %gather3A_377, %max3A_435 : vector<16xf32>
      %jit3A_671 = arith.constant 3 : i32
      %broadcast_in_dim3A_672 = vector.broadcast %jit3A_671 : i32 to vector<16xi32>
      %select_n3A_673 = arith.select %eq3A_670, %broadcast_in_dim3A_672, %select_n3A_669 : vector<16xi1>, vector<16xi32>
      %eq3A_674 = arith.cmpf oeq, %gather3A_373, %max3A_435 : vector<16xf32>
      %jit3A_675 = arith.constant 2 : i32
      %broadcast_in_dim3A_676 = vector.broadcast %jit3A_675 : i32 to vector<16xi32>
      %select_n3A_677 = arith.select %eq3A_674, %broadcast_in_dim3A_676, %select_n3A_673 : vector<16xi1>, vector<16xi32>
      %eq3A_678 = arith.cmpf oeq, %gather3A_369, %max3A_435 : vector<16xf32>
      %jit3A_679 = arith.constant 1 : i32
      %broadcast_in_dim3A_680 = vector.broadcast %jit3A_679 : i32 to vector<16xi32>
      %select_n3A_681 = arith.select %eq3A_678, %broadcast_in_dim3A_680, %select_n3A_677 : vector<16xi1>, vector<16xi32>
      %eq3A_682 = arith.cmpf oeq, %gather3A_365, %max3A_435 : vector<16xf32>
      %jit3A_683 = arith.constant 0 : i32
      %broadcast_in_dim3A_684 = vector.broadcast %jit3A_683 : i32 to vector<16xi32>
      %select_n3A_685 = arith.select %eq3A_682, %broadcast_in_dim3A_684, %select_n3A_681 : vector<16xi1>, vector<16xi32>
      %mul3A_686 = arith.constant 16 : i32
      %mul3A_687 = vector.broadcast %mul3A_686 : i32 to vector<16xi32>
      %mul3A_688 = arith.muli %select_n3A_685, %mul3A_687 : vector<16xi32>
      %add3A_689 = arith.constant 0 : i32
      %add3A_690 = vector.broadcast %add3A_689 : i32 to vector<16xi32>
      %add3A_691 = arith.addi %mul3A_688, %add3A_690 : vector<16xi32>
      %mul3A_692 = arith.mulf %exp3A_489, %mul3A_624 : vector<16xf32>
      tpu.vector_store_idx %arg11[%add3A_691], %mul3A_692 {add = true} : memref<256xf32, #tpu.memory_space<vmem>>[vector<16xi32>], vector<16xf32>,
      %add3A_693 = arith.constant 1 : i32
      %add3A_694 = vector.broadcast %add3A_693 : i32 to vector<16xi32>
      %add3A_695 = arith.addi %mul3A_688, %add3A_694 : vector<16xi32>
      %mul3A_696 = arith.mulf %exp3A_494, %mul3A_624 : vector<16xf32>
      tpu.vector_store_idx %arg11[%add3A_695], %mul3A_696 {add = true} : memref<256xf32, #tpu.memory_space<vmem>>[vector<16xi32>], vector<16xf32>,
      %add3A_697 = arith.constant 2 : i32
      %add3A_698 = vector.broadcast %add3A_697 : i32 to vector<16xi32>
      %add3A_699 = arith.addi %mul3A_688, %add3A_698 : vector<16xi32>
      %mul3A_700 = arith.mulf %exp3A_499, %mul3A_624 : vector<16xf32>
      tpu.vector_store_idx %arg11[%add3A_699], %mul3A_700 {add = true} : memref<256xf32, #tpu.memory_space<vmem>>[vector<16xi32>], vector<16xf32>,
      %add3A_701 = arith.constant 3 : i32
      %add3A_702 = vector.broadcast %add3A_701 : i32 to vector<16xi32>
      %add3A_703 = arith.addi %mul3A_688, %add3A_702 : vector<16xi32>
      %mul3A_704 = arith.mulf %exp3A_504, %mul3A_624 : vector<16xf32>
      tpu.vector_store_idx %arg11[%add3A_703], %mul3A_704 {add = true} : memref<256xf32, #tpu.memory_space<vmem>>[vector<16xi32>], vector<16xf32>,
      %add3A_705 = arith.constant 4 : i32
      %add3A_706 = vector.broadcast %add3A_705 : i32 to vector<16xi32>
      %add3A_707 = arith.addi %mul3A_688, %add3A_706 : vector<16xi32>
      %mul3A_708 = arith.mulf %exp3A_509, %mul3A_624 : vector<16xf32>
      tpu.vector_store_idx %arg11[%add3A_707], %mul3A_708 {add = true} : memref<256xf32, #tpu.memory_space<vmem>>[vector<16xi32>], vector<16xf32>,
      %add3A_709 = arith.constant 5 : i32
      %add3A_710 = vector.broadcast %add3A_709 : i32 to vector<16xi32>
      %add3A_711 = arith.addi %mul3A_688, %add3A_710 : vector<16xi32>
      %mul3A_712 = arith.mulf %exp3A_514, %mul3A_624 : vector<16xf32>
      tpu.vector_store_idx %arg11[%add3A_711], %mul3A_712 {add = true} : memref<256xf32, #tpu.memory_space<vmem>>[vector<16xi32>], vector<16xf32>,
      %add3A_713 = arith.constant 6 : i32
      %add3A_714 = vector.broadcast %add3A_713 : i32 to vector<16xi32>
      %add3A_715 = arith.addi %mul3A_688, %add3A_714 : vector<16xi32>
      %mul3A_716 = arith.mulf %exp3A_519, %mul3A_624 : vector<16xf32>
      tpu.vector_store_idx %arg11[%add3A_715], %mul3A_716 {add = true} : memref<256xf32, #tpu.memory_space<vmem>>[vector<16xi32>], vector<16xf32>,
      %add3A_717 = arith.constant 7 : i32
      %add3A_718 = vector.broadcast %add3A_717 : i32 to vector<16xi32>
      %add3A_719 = arith.addi %mul3A_688, %add3A_718 : vector<16xi32>
      %mul3A_720 = arith.mulf %exp3A_524, %mul3A_624 : vector<16xf32>
      tpu.vector_store_idx %arg11[%add3A_719], %mul3A_720 {add = true} : memref<256xf32, #tpu.memory_space<vmem>>[vector<16xi32>], vector<16xf32>,
      %add3A_721 = arith.constant 8 : i32
      %add3A_722 = vector.broadcast %add3A_721 : i32 to vector<16xi32>
      %add3A_723 = arith.addi %mul3A_688, %add3A_722 : vector<16xi32>
      %mul3A_724 = arith.mulf %exp3A_529, %mul3A_624 : vector<16xf32>
      tpu.vector_store_idx %arg11[%add3A_723], %mul3A_724 {add = true} : memref<256xf32, #tpu.memory_space<vmem>>[vector<16xi32>], vector<16xf32>,
      %add3A_725 = arith.constant 9 : i32
      %add3A_726 = vector.broadcast %add3A_725 : i32 to vector<16xi32>
      %add3A_727 = arith.addi %mul3A_688, %add3A_726 : vector<16xi32>
      %mul3A_728 = arith.mulf %exp3A_534, %mul3A_624 : vector<16xf32>
      tpu.vector_store_idx %arg11[%add3A_727], %mul3A_728 {add = true} : memref<256xf32, #tpu.memory_space<vmem>>[vector<16xi32>], vector<16xf32>,
      %add3A_729 = arith.constant 10 : i32
      %add3A_730 = vector.broadcast %add3A_729 : i32 to vector<16xi32>
      %add3A_731 = arith.addi %mul3A_688, %add3A_730 : vector<16xi32>
      %mul3A_732 = arith.mulf %exp3A_539, %mul3A_624 : vector<16xf32>
      tpu.vector_store_idx %arg11[%add3A_731], %mul3A_732 {add = true} : memref<256xf32, #tpu.memory_space<vmem>>[vector<16xi32>], vector<16xf32>,
      %add3A_733 = arith.constant 11 : i32
      %add3A_734 = vector.broadcast %add3A_733 : i32 to vector<16xi32>
      %add3A_735 = arith.addi %mul3A_688, %add3A_734 : vector<16xi32>
      %mul3A_736 = arith.mulf %exp3A_544, %mul3A_624 : vector<16xf32>
      tpu.vector_store_idx %arg11[%add3A_735], %mul3A_736 {add = true} : memref<256xf32, #tpu.memory_space<vmem>>[vector<16xi32>], vector<16xf32>,
      %add3A_737 = arith.constant 12 : i32
      %add3A_738 = vector.broadcast %add3A_737 : i32 to vector<16xi32>
      %add3A_739 = arith.addi %mul3A_688, %add3A_738 : vector<16xi32>
      %mul3A_740 = arith.mulf %exp3A_549, %mul3A_624 : vector<16xf32>
      tpu.vector_store_idx %arg11[%add3A_739], %mul3A_740 {add = true} : memref<256xf32, #tpu.memory_space<vmem>>[vector<16xi32>], vector<16xf32>,
      %add3A_741 = arith.constant 13 : i32
      %add3A_742 = vector.broadcast %add3A_741 : i32 to vector<16xi32>
      %add3A_743 = arith.addi %mul3A_688, %add3A_742 : vector<16xi32>
      %mul3A_744 = arith.mulf %exp3A_554, %mul3A_624 : vector<16xf32>
      tpu.vector_store_idx %arg11[%add3A_743], %mul3A_744 {add = true} : memref<256xf32, #tpu.memory_space<vmem>>[vector<16xi32>], vector<16xf32>,
      %add3A_745 = arith.constant 14 : i32
      %add3A_746 = vector.broadcast %add3A_745 : i32 to vector<16xi32>
      %add3A_747 = arith.addi %mul3A_688, %add3A_746 : vector<16xi32>
      %mul3A_748 = arith.mulf %exp3A_559, %mul3A_624 : vector<16xf32>
      tpu.vector_store_idx %arg11[%add3A_747], %mul3A_748 {add = true} : memref<256xf32, #tpu.memory_space<vmem>>[vector<16xi32>], vector<16xf32>,
      %add3A_749 = arith.constant 15 : i32
      %add3A_750 = vector.broadcast %add3A_749 : i32 to vector<16xi32>
      %add3A_751 = arith.addi %mul3A_688, %add3A_750 : vector<16xi32>
      tpu.vector_store_idx %arg11[%add3A_751], %select_n3A {add = true} : memref<256xf32, #tpu.memory_space<vmem>>[vector<16xi32>], vector<16xf32>,
    }
    %scan3A_77 = arith.constant 16 : i32
    "tpu.region"() ({
      %run_scoped3A = tpu.sem_alloc : memref<!tpu.dma_semaphore, #tpu.memory_space<semaphore_mem>>
      %dma_start3A = arith.constant 0 : i32
      %dma_start3A_78 = tpu.memref_slice %arg5[%add3A, %dma_start3A] : memref<32x256xf32, #tpu.memory_space<hbm>> -> memref<1x256xf32, #tpu.memory_space<hbm>>
      %dma_start3A_79 = tpu.memref_squeeze %dma_start3A_78 : memref<1x256xf32, #tpu.memory_space<hbm>> -> memref<256xf32, #tpu.memory_space<hbm>>
      %dma_start3A_80 = arith.constant 0 : i32
      %dma_start3A_81 = tpu.memref_slice %arg5[%add3A, %dma_start3A_80] : memref<32x256xf32, #tpu.memory_space<hbm>> -> memref<1x256xf32, #tpu.memory_space<hbm>>
      %dma_start3A_82 = tpu.memref_squeeze %dma_start3A_81 : memref<1x256xf32, #tpu.memory_space<hbm>> -> memref<256xf32, #tpu.memory_space<hbm>>
      tpu.enqueue_dma source(%arg10 : memref<256xf32, #tpu.memory_space<vmem>>) target(%dma_start3A_82 : memref<256xf32, #tpu.memory_space<hbm>>) target_semaphore(%run_scoped3A : memref<!tpu.dma_semaphore, #tpu.memory_space<semaphore_mem>>)
      %dma_wait3A = arith.constant 0 : i32
      %dma_wait3A_83 = tpu.memref_slice %arg5[%add3A, %dma_wait3A] : memref<32x256xf32, #tpu.memory_space<hbm>> -> memref<1x256xf32, #tpu.memory_space<hbm>>
      %dma_wait3A_84 = tpu.memref_squeeze %dma_wait3A_83 : memref<1x256xf32, #tpu.memory_space<hbm>> -> memref<256xf32, #tpu.memory_space<hbm>>
      %dma_wait3A_85 = arith.constant 0 : i32
      %dma_wait3A_86 = tpu.memref_slice %arg5[%add3A, %dma_wait3A_85] : memref<32x256xf32, #tpu.memory_space<hbm>> -> memref<1x256xf32, #tpu.memory_space<hbm>>
      %dma_wait3A_87 = tpu.memref_squeeze %dma_wait3A_86 : memref<1x256xf32, #tpu.memory_space<hbm>> -> memref<256xf32, #tpu.memory_space<hbm>>
      tpu.wait_dma2 semaphore(%run_scoped3A : memref<!tpu.dma_semaphore, #tpu.memory_space<semaphore_mem>>) src(%arg10 : memref<256xf32, #tpu.memory_space<vmem>>) dst(%dma_wait3A_87 : memref<256xf32, #tpu.memory_space<hbm>>)
      tpu.yield
    }) : () -> ()
    "tpu.region"() ({
      %run_scoped3A = tpu.sem_alloc : memref<!tpu.dma_semaphore, #tpu.memory_space<semaphore_mem>>
      %dma_start3A = arith.constant 0 : i32
      %dma_start3A_78 = tpu.memref_slice %arg6[%add3A, %dma_start3A] : memref<32x256xf32, #tpu.memory_space<hbm>> -> memref<1x256xf32, #tpu.memory_space<hbm>>
      %dma_start3A_79 = tpu.memref_squeeze %dma_start3A_78 : memref<1x256xf32, #tpu.memory_space<hbm>> -> memref<256xf32, #tpu.memory_space<hbm>>
      %dma_start3A_80 = arith.constant 0 : i32
      %dma_start3A_81 = tpu.memref_slice %arg6[%add3A, %dma_start3A_80] : memref<32x256xf32, #tpu.memory_space<hbm>> -> memref<1x256xf32, #tpu.memory_space<hbm>>
      %dma_start3A_82 = tpu.memref_squeeze %dma_start3A_81 : memref<1x256xf32, #tpu.memory_space<hbm>> -> memref<256xf32, #tpu.memory_space<hbm>>
      tpu.enqueue_dma source(%arg11 : memref<256xf32, #tpu.memory_space<vmem>>) target(%dma_start3A_82 : memref<256xf32, #tpu.memory_space<hbm>>) target_semaphore(%run_scoped3A : memref<!tpu.dma_semaphore, #tpu.memory_space<semaphore_mem>>)
      %dma_wait3A = arith.constant 0 : i32
      %dma_wait3A_83 = tpu.memref_slice %arg6[%add3A, %dma_wait3A] : memref<32x256xf32, #tpu.memory_space<hbm>> -> memref<1x256xf32, #tpu.memory_space<hbm>>
      %dma_wait3A_84 = tpu.memref_squeeze %dma_wait3A_83 : memref<1x256xf32, #tpu.memory_space<hbm>> -> memref<256xf32, #tpu.memory_space<hbm>>
      %dma_wait3A_85 = arith.constant 0 : i32
      %dma_wait3A_86 = tpu.memref_slice %arg6[%add3A, %dma_wait3A_85] : memref<32x256xf32, #tpu.memory_space<hbm>> -> memref<1x256xf32, #tpu.memory_space<hbm>>
      %dma_wait3A_87 = tpu.memref_squeeze %dma_wait3A_86 : memref<1x256xf32, #tpu.memory_space<hbm>> -> memref<256xf32, #tpu.memory_space<hbm>>
      tpu.wait_dma2 semaphore(%run_scoped3A : memref<!tpu.dma_semaphore, #tpu.memory_space<semaphore_mem>>) src(%arg11 : memref<256xf32, #tpu.memory_space<vmem>>) dst(%dma_wait3A_87 : memref<256xf32, #tpu.memory_space<hbm>>)
      tpu.yield
    }) : () -> ()
    return
  }
}

module attributes {stable_mosaic.version = 14 : i64} {
  func.func @_fin_body(%arg0: memref<32x256xf32, #tpu.memory_space<vmem>>, %arg1: memref<32x256xf32, #tpu.memory_space<vmem>>, %arg2: memref<1x1xf32, #tpu.memory_space<smem>>) attributes {dimension_semantics = [], scalar_prefetch = 0 : i64, scratch_operands = 0 : i64, tpu.core_type = #tpu.core_type<tc>} {
    %get3A = arith.constant 0 : index
    %get3A_0 = arith.constant 0 : index
    %get3A_1 = vector.load %arg0[%get3A, %get3A_0] : memref<32x256xf32, #tpu.memory_space<vmem>>, vector<32x256xf32>
    %reduce_sum3A = arith.constant dense<0.000000e+00> : vector<256xf32>
    %reduce_sum3A_2 = vector.multi_reduction <add>, %get3A_1, %reduce_sum3A [0] : vector<32x256xf32> to vector<256xf32>
    %broadcast_in_dim3A = vector.shape_cast %reduce_sum3A_2 : vector<256xf32> to vector<1x256xf32>
    %get3A_3 = arith.constant 0 : index
    %get3A_4 = arith.constant 0 : index
    %get3A_5 = vector.load %arg1[%get3A_3, %get3A_4] : memref<32x256xf32, #tpu.memory_space<vmem>>, vector<32x256xf32>
    %reduce_sum3A_6 = arith.constant dense<0.000000e+00> : vector<256xf32>
    %reduce_sum3A_7 = vector.multi_reduction <add>, %get3A_5, %reduce_sum3A_6 [0] : vector<32x256xf32> to vector<256xf32>
    %broadcast_in_dim3A_8 = vector.shape_cast %reduce_sum3A_7 : vector<256xf32> to vector<1x256xf32>
    %mul3A = arith.mulf %broadcast_in_dim3A, %broadcast_in_dim3A_8 : vector<1x256xf32>
    %reduce_sum3A_9 = vector.shape_cast %mul3A : vector<1x256xf32> to vector<1x1x256xf32>
    %reduce_sum3A_10 = arith.constant dense<0.000000e+00> : vector<1xf32>
    %reduce_sum3A_11 = vector.multi_reduction <add>, %reduce_sum3A_9, %reduce_sum3A_10 [1, 2] : vector<1x1x256xf32> to vector<1xf32>
    %reduce_sum3A_12 = vector.shape_cast %reduce_sum3A_11 : vector<1xf32> to vector<1x1x1xf32>
    %reduce_sum3A_13 = vector.extract %reduce_sum3A_12[0, 0, 0] : f32 from vector<1x1x1xf32>
    %iota3A = tpu.iota {dimensions = array<i32: 1>} : vector<1x256xi32>
    %jit3A = arith.constant 16 : i32
    %eq3A = arith.constant 0 : i32
    %eq3A_14 = arith.cmpi eq, %jit3A, %eq3A : i32
    %jit3A_15 = arith.constant 1 : i32
    %select_n3A = arith.select %eq3A_14, %jit3A_15, %jit3A : i32
    %rem3A = vector.broadcast %select_n3A : i32 to vector<1x256xi32>
    %rem3A_16 = arith.remsi %iota3A, %rem3A : vector<1x256xi32>
    %ne3A = arith.constant 0 : i32
    %ne3A_17 = vector.broadcast %ne3A : i32 to vector<1x256xi32>
    %ne3A_18 = arith.cmpi ne, %rem3A_16, %ne3A_17 : vector<1x256xi32>
    %lt3A = arith.constant 0 : i32
    %lt3A_19 = vector.broadcast %lt3A : i32 to vector<1x256xi32>
    %lt3A_20 = arith.cmpi slt, %rem3A_16, %lt3A_19 : vector<1x256xi32>
    %lt3A_21 = arith.constant 0 : i32
    %lt3A_22 = arith.cmpi slt, %select_n3A, %lt3A_21 : i32
    %ne3A_23 = vector.broadcast %lt3A_22 : i1 to vector<1x256xi1>
    %ne3A_24 = vector.broadcast %ne3A_23 : vector<1x256xi1> to vector<1x256xi1>
    %ne3A_25 = arith.xori %lt3A_20, %ne3A_24 : vector<1x256xi1>
    %and3A = arith.andi %ne3A_25, %ne3A_18 : vector<1x256xi1>
    %add3A = vector.broadcast %select_n3A : i32 to vector<1x256xi32>
    %add3A_26 = arith.addi %rem3A_16, %add3A : vector<1x256xi32>
    %select_n3A_27 = arith.select %and3A, %add3A_26, %rem3A_16 : vector<1x256xi1>, vector<1x256xi32>
    %eq3A_28 = arith.constant 15 : i32
    %eq3A_29 = vector.broadcast %eq3A_28 : i32 to vector<1x256xi32>
    %eq3A_30 = arith.cmpi eq, %select_n3A_27, %eq3A_29 : vector<1x256xi32>
    %jit3A_31 = arith.constant 0.000000e+00 : f32
    %broadcast_in_dim3A_32 = vector.broadcast %jit3A_31 : f32 to vector<1x256xf32>
    %select_n3A_33 = arith.select %eq3A_30, %mul3A, %broadcast_in_dim3A_32 : vector<1x256xi1>, vector<1x256xf32>
    %reduce_sum3A_34 = vector.shape_cast %select_n3A_33 : vector<1x256xf32> to vector<1x1x256xf32>
    %reduce_sum3A_35 = arith.constant dense<0.000000e+00> : vector<1xf32>
    %reduce_sum3A_36 = vector.multi_reduction <add>, %reduce_sum3A_34, %reduce_sum3A_35 [1, 2] : vector<1x1x256xf32> to vector<1xf32>
    %reduce_sum3A_37 = vector.shape_cast %reduce_sum3A_36 : vector<1xf32> to vector<1x1x1xf32>
    %reduce_sum3A_38 = vector.extract %reduce_sum3A_37[0, 0, 0] : f32 from vector<1x1x1xf32>
    %mul3A_39 = arith.constant 2.000000e+00 : f32
    %mul3A_40 = arith.mulf %mul3A_39, %reduce_sum3A_38 : f32
    %sub3A = arith.subf %mul3A_40, %reduce_sum3A_13 : f32
    %mul3A_41 = arith.constant 1.000000e+02 : f32
    %mul3A_42 = arith.mulf %mul3A_41, %sub3A : f32
    %max3A = arith.constant 1.000000e+00 : f32
    %max3A_43 = arith.maximumf %reduce_sum3A_38, %max3A : f32
    %div3A = arith.divf %mul3A_42, %max3A_43 : f32
    %swap3A = arith.constant 0 : index
    %swap3A_44 = arith.constant 0 : index
    %swap3A_45 = memref.load %arg2[%swap3A, %swap3A_44] : memref<1x1xf32, #tpu.memory_space<smem>>
    memref.store %div3A, %arg2[%swap3A, %swap3A_44] : memref<1x1xf32, #tpu.memory_space<smem>>
    return
  }
}

module attributes {stable_mosaic.version = 14 : i64} {
  func.func @_mm_body(%arg0: i32, %arg1: memref<512x4096xf32, #tpu.memory_space<vmem>>, %arg2: memref<512x4096xf32, #tpu.memory_space<vmem>>, %arg3: memref<4096x15xf32, #tpu.memory_space<vmem>>, %arg4: memref<1x15xf32, #tpu.memory_space<vmem>>, %arg5: memref<512x16xf32, #tpu.memory_space<vmem>>, %arg6: memref<512x16xf32, #tpu.memory_space<vmem>>) attributes {dimension_semantics = [#tpu.dimension_semantics<arbitrary>], iteration_bounds = array<i64: 16>, scalar_prefetch = 0 : i64, scratch_operands = 0 : i64, tpu.core_type = #tpu.core_type<tc>, window_params = [{transform_indices = @transform_0, window_bounds = array<i64: 512, 4096>}, {transform_indices = @transform_1, window_bounds = array<i64: 512, 4096>}, {pipeline_mode = #tpu.pipeline_mode<synchronous>, transform_indices = @transform_2, window_bounds = array<i64: 4096, 15>}, {pipeline_mode = #tpu.pipeline_mode<synchronous>, transform_indices = @transform_3, window_bounds = array<i64: 1, 15>}, {transform_indices = @transform_4, window_bounds = array<i64: 512, 16>}, {transform_indices = @transform_5, window_bounds = array<i64: 512, 16>}]} {
    %get3A = arith.constant 0 : index
    %get3A_0 = arith.constant 0 : index
    %get3A_1 = vector.load %arg3[%get3A, %get3A_0] : memref<4096x15xf32, #tpu.memory_space<vmem>>, vector<4096x15xf32>
    %get3A_2 = arith.constant 0 : index
    %get3A_3 = arith.constant 0 : index
    %get3A_4 = vector.load %arg4[%get3A_2, %get3A_3] : memref<1x15xf32, #tpu.memory_space<vmem>>, vector<1x15xf32>
    %broadcast_in_dim3A = arith.constant -1.000000e+30 : f32
    %broadcast_in_dim3A_5 = vector.broadcast %broadcast_in_dim3A : f32 to vector<512x1xf32>
    %get3A_6 = arith.constant 0 : index
    %get3A_7 = arith.constant 0 : index
    %get3A_8 = vector.load %arg1[%get3A_6, %get3A_7] : memref<512x4096xf32, #tpu.memory_space<vmem>>, vector<512x4096xf32>
    %dot_general3A = arith.constant dense<0.000000e+00> : vector<512x15xf32>
    %dot_general3A_9 = tpu.matmul %get3A_8, %get3A_1, %dot_general3A {dimension_numbers = #tpu.dot_dimension_numbers<[1], [0], [0], [1], [0, 0, 1, 1], [], []>, transpose_lhs_hint = false} : vector<512x4096xf32>, vector<4096x15xf32>, vector<512x15xf32> -> vector<512x15xf32>
    %add3A = vector.broadcast %get3A_4 : vector<1x15xf32> to vector<512x15xf32>
    %add3A_10 = arith.addf %dot_general3A_9, %add3A : vector<512x15xf32>
    %get3A_11 = arith.constant 0 : index
    %get3A_12 = arith.constant 0 : index
    %get3A_13 = vector.load %arg2[%get3A_11, %get3A_12] : memref<512x4096xf32, #tpu.memory_space<vmem>>, vector<512x4096xf32>
    %dot_general3A_14 = arith.constant dense<0.000000e+00> : vector<512x15xf32>
    %dot_general3A_15 = tpu.matmul %get3A_13, %get3A_1, %dot_general3A_14 {dimension_numbers = #tpu.dot_dimension_numbers<[1], [0], [0], [1], [0, 0, 1, 1], [], []>, transpose_lhs_hint = false} : vector<512x4096xf32>, vector<4096x15xf32>, vector<512x15xf32> -> vector<512x15xf32>
    %add3A_16 = vector.broadcast %get3A_4 : vector<1x15xf32> to vector<512x15xf32>
    %add3A_17 = arith.addf %dot_general3A_15, %add3A_16 : vector<512x15xf32>
    %concatenate3A = tpu.concatenate %add3A_10, %broadcast_in_dim3A_5 in 1 : vector<512x15xf32>, vector<512x1xf32> -> vector<512x16xf32>
    %swap3A = arith.constant 0 : index
    %swap3A_18 = arith.constant 0 : index
    %swap3A_19 = vector.load %arg5[%swap3A, %swap3A_18] : memref<512x16xf32, #tpu.memory_space<vmem>>, vector<512x16xf32>
    tpu.vector_store %arg5[%swap3A, %swap3A_18], %concatenate3A {strides = array<i32>} : memref<512x16xf32, #tpu.memory_space<vmem>>, vector<512x16xf32>,
    %concatenate3A_20 = tpu.concatenate %add3A_17, %broadcast_in_dim3A_5 in 1 : vector<512x15xf32>, vector<512x1xf32> -> vector<512x16xf32>
    %swap3A_21 = arith.constant 0 : index
    %swap3A_22 = arith.constant 0 : index
    %swap3A_23 = vector.load %arg6[%swap3A_21, %swap3A_22] : memref<512x16xf32, #tpu.memory_space<vmem>>, vector<512x16xf32>
    tpu.vector_store %arg6[%swap3A_21, %swap3A_22], %concatenate3A_20 {strides = array<i32>} : memref<512x16xf32, #tpu.memory_space<vmem>>, vector<512x16xf32>,
    return
  }
  func.func @transform_0(%arg0: i32) -> (i32, i32) {
    %c0_i32 = arith.constant 0 : i32
    %c0_i32_0 = arith.constant 0 : i32
    return %arg0, %c0_i32 : i32, i32
  }
  func.func @transform_1(%arg0: i32) -> (i32, i32) {
    %c0_i32 = arith.constant 0 : i32
    %c0_i32_0 = arith.constant 0 : i32
    return %arg0, %c0_i32 : i32, i32
  }
  func.func @transform_2(%arg0: i32) -> (i32, i32) {
    %c0_i32 = arith.constant 0 : i32
    %c0_i32_0 = arith.constant 0 : i32
    %c0_i32_1 = arith.constant 0 : i32
    return %c0_i32, %c0_i32_0 : i32, i32
  }
  func.func @transform_3(%arg0: i32) -> (i32, i32) {
    %c0_i32 = arith.constant 0 : i32
    %c0_i32_0 = arith.constant 0 : i32
    %c0_i32_1 = arith.constant 0 : i32
    return %c0_i32, %c0_i32_0 : i32, i32
  }
  func.func @transform_4(%arg0: i32) -> (i32, i32) {
    %c0_i32 = arith.constant 0 : i32
    %c0_i32_0 = arith.constant 0 : i32
    return %arg0, %c0_i32 : i32, i32
  }
  func.func @transform_5(%arg0: i32) -> (i32, i32) {
    %c0_i32 = arith.constant 0 : i32
    %c0_i32_0 = arith.constant 0 : i32
    return %arg0, %c0_i32 : i32, i32
  }
}

</mosaic_0001>

<sc_bundles>
// kernel: kernel.5.cloned.1.call-start
scs
__scs_entry_jumppad:
0x0: {  	(pc) =	sbr.rel $0x88, $3  }
0x1: {  	(tag) =	ssettag $0x0;
	lr =	simm.s32 $0x1  }
0x2: {  	[smem:$0x3F9C] =	sst lr;
	_ =	strace $0xD0000000  }
0x3: {  	_ = 	snop  }
0x4: {  	_ = 	snop  }
0x5: {  	_ = 	snop  }
0x6: {  	_ = 	snop  }
0x7: {  	_ = 	snop  }
__scs_overlays_trampoline_lowered:
0x8: {  	[smem:$0x3FAB] =	sst s0  }
0x9: {  	[smem:$0x3FAC] =	sst s1  }
0xa: {  	[smem:$0x3FAD] =	sst s2  }
0xb: {  	[smem:$0x3FAE] =	sst s3  }
0xc: {  	[smem:$0x3FAF] =	sst s4  }
0xd: {  	[smem:$0x3FB0] =	sst s5  }
0xe: {  	[smem:$0x3FB1] =	sst s6  }
0xf: {  	[smem:$0x3FB2] =	sst s7  }
0x10: {  	[smem:$0x3FB3] =	sst s8  }
0x11: {  	[smem:$0x3FB4] =	sst s9;
	s0 =	simm.s32 @!p0 $0x0  }
0x12: {  	s1 =	sld [smem:$0x3F9A];
	s0 =	simm.s32 @p0 $0x1  }
0x13: {  	[smem:$0x3FB5] =	sst s0;
	s0 =	simm.s32 @!p1 $0x0  }
0x14: {  	s2 =	sld [smem:$0x3F99];
	s0 =	simm.s32 @p1 $0x1  }
0x15: {  	[smem:$0x3FB6] =	sst s0;
	s0 =	simm.s32 @!p2 $0x0  }
0x16: {  	s3 =	sld [smem:$0x3FDB];
	s0 =	simm.s32 @p2 $0x1  }
0x17: {  	s4 =	simm.s32 $0x1BF5;
	[smem:$0x3FB8] =	sst s0  }
0x18: {  	s0 =	sld [smem:$0x3F9B];
	_ =	swait.ge [sflag:s4], $0x0  }
0x19: {  	s7 =	sld [smem:$0x3F9C]  }
0x1a: {  	s8 =	sadd.s32 $0xFFFFE003, lr  }
0x1b: {  	s9 =	sadd.s32 $0xFFFFFEF7, lr;
	s5 =	simm.s32 $0xFFFFFFFF;
	p2 =	slt.u32 s8, $0xFFFFF086  }
0x1c: {  	p1 =	slt.u32 s9, $0xF7A;
	s5 =	simm.s32 @!p2 $0x0  }
0x1d: {  	s5 =	simm.s32 @p1 $0x1;
	p0 =	seq.s32 s7, s2  }
0x1e: {  	s7 =	smul.u32 @!p0 $0xF7A, s2;
	p2 =	seq.s32 @!p0 s5, $0x0  }
0x1f: {  	s9 =	smul.u32 $0xF7A, s1;
	s8 =	simm.s32 @!p0 $0x1BF5;
	p2 =	por !p2, p0  }
0x20: {  	[sflag:s8] =	ssyncset.s32 @!p0 $0xFFFFF086;
	s6 =	sadd.s32 @!p0 s3, s7;
	s7 =	simm.s32 @!p0 $0x108  }
0x21: {  	s3 =	sadd.s32 s3, s9;
	s6 =	sadd.s32 @!p0 $0x88, s6;
	s7 =	simm.s32 @p2 $0x1082  }
0x22: {  	[simem:s7], [sflag:s8] =	dma.local @!p0 [hbm:s6], $0xF7A  }
0x23: {  	s9 =	sor.u32 $0xD0000000, s2;
	s6 =	simm.s32 $0x108;
	_ =	swait.ge @!p0 [sflag:s8], $0x0  }
0x24: {  	s3 =	sadd.s32 $0x88, s3;
	s6 =	simm.s32 @!p1 $0x1082;
	[sflag:s4] =	ssyncset.s32 $0xFFFFF086  }
0x25: {  	[simem:s6], [sflag:s4] =	dma.local [hbm:s3], $0xF7A  }
0x26: {  	[smem:$0x3F9C] =	sst s1;
	(tag) =	ssettag s2;
	_ =	strace s9  }
0x27: {  	s1 =	sld [smem:$0x3FAC]  }
0x28: {  	s2 =	sld [smem:$0x3FAD]  }
0x29: {  	s4 =	sld [smem:$0x3FAF]  }
0x2a: {  	p0 =	seq.s32 s5, $0x0;
	s5 =	sld [smem:$0x3FB0]  }
0x2b: {  	s6 =	sld [smem:$0x3FB1]  }
0x2c: {  	s7 =	sld [smem:$0x3FB2]  }
0x2d: {  	s3 =	simm.s32 $0x108;
	s8 =	sld [smem:$0x3FB3]  }
0x2e: {  	s3 =	simm.s32 @!p0 $0x1082;
	s9 =	sld [smem:$0x3FB4]  }
0x2f: {  	lr =	sadd.s32 s0, s3;
	s0 =	sld [smem:$0x3FAB]  }
0x30: {  	s3 =	sld [smem:$0x3FAE]  }
0x31: {  	[smem:$0x3FB7] =	sst s10  }
0x32: {  	s10 =	sld [smem:$0x3FB5];
	_ =	sdelay $0x3  }
0x33: {  	p0 =	seq.s32 s10, $0x1;
	s10 =	sld [smem:$0x3FB7];
	_ =	sdelay $0x3  }
0x34: {  	[smem:$0x3FB7] =	sst s10  }
0x35: {  	s10 =	sld [smem:$0x3FB6];
	_ =	sdelay $0x3  }
0x36: {  	p1 =	seq.s32 s10, $0x1;
	s10 =	sld [smem:$0x3FB7];
	_ =	sdelay $0x3  }
0x37: {  	[smem:$0x3FB7] =	sst s10  }
0x38: {  	s10 =	sld [smem:$0x3FB8]  }
0x39: {  	_ = 	snop;
	(pc) =	sbr.ind lr, $3  }
0x3a: {  	_ = 	snop  }
0x3b: {  	_ = 	snop  }
0x3c: {  	p2 =	seq.s32 s10, $0x1;
	s10 =	sld [smem:$0x3FB7]  }
0x3d: {  	_ =	shalt  }
0x3e: {  	_ =	shalt  }
0x3f: {  	_ =	shalt  }
0x40: {  	_ =	shalt  }
0x41: {  	_ =	shalt  }
0x42: {  	_ =	shalt  }
0x43: {  	_ =	shalt  }
0x44: {  	_ =	shalt  }
0x45: {  	_ =	shalt  }
0x46: {  	_ =	shalt  }
0x47: {  	_ =	shalt  }
0x48: {  	_ =	shalt  }
0x49: {  	_ =	shalt  }
0x4a: {  	_ =	shalt  }
0x4b: {  	_ =	shalt  }
0x4c: {  	_ =	shalt  }
0x4d: {  	_ =	shalt  }
0x4e: {  	_ =	shalt  }
0x4f: {  	_ =	shalt  }
0x50: {  	_ =	shalt  }
0x51: {  	_ =	shalt  }
0x52: {  	_ =	shalt  }
0x53: {  	_ =	shalt  }
0x54: {  	_ =	shalt  }
0x55: {  	_ =	shalt  }
0x56: {  	_ =	shalt  }
0x57: {  	_ =	shalt  }
0x58: {  	_ =	shalt  }
0x59: {  	_ =	shalt  }
0x5a: {  	_ =	shalt  }
0x5b: {  	_ =	shalt  }
0x5c: {  	_ =	shalt  }
0x5d: {  	_ =	shalt  }
0x5e: {  	_ =	shalt  }
0x5f: {  	_ =	shalt  }
0x60: {  	_ =	shalt  }
0x61: {  	_ =	shalt  }
0x62: {  	_ =	shalt  }
0x63: {  	_ =	shalt  }
0x64: {  	_ =	shalt  }
0x65: {  	_ =	shalt  }
0x66: {  	_ =	shalt  }
0x67: {  	_ =	shalt  }
0x68: {  	_ =	shalt  }
0x69: {  	_ =	shalt  }
0x6a: {  	_ =	shalt  }
0x6b: {  	_ =	shalt  }
0x6c: {  	_ =	shalt  }
0x6d: {  	_ =	shalt  }
0x6e: {  	_ =	shalt  }
0x6f: {  	_ =	shalt  }
0x70: {  	_ =	shalt  }
0x71: {  	_ =	shalt  }
0x72: {  	_ =	shalt  }
0x73: {  	_ =	shalt  }
0x74: {  	_ =	shalt  }
0x75: {  	_ =	shalt  }
0x76: {  	_ =	shalt  }
0x77: {  	_ =	shalt  }
0x78: {  	_ =	shalt  }
0x79: {  	_ =	shalt  }
0x7a: {  	_ =	shalt  }
0x7b: {  	_ =	shalt  }
0x7c: {  	_ =	shalt  }
0x7d: {  	_ =	shalt  }
0x7e: {  	_ =	shalt  }
0x7f: {  	_ =	shalt  }
0x80: {  	_ =	shalt  }
0x81: {  	_ =	shalt  }
0x82: {  	_ =	shalt  }
0x83: {  	_ =	shalt  }
0x84: {  	_ =	shalt  }
0x85: {  	_ =	shalt  }
0x86: {  	_ =	shalt  }
0x87: {  	_ =	shalt  }
.Lfunc_end0:
.L_simem_size_0:
called_computation_lowered:
.L_overlay_start_0:
0x88: {  	s2 =	sld [smem:$0x3FD9]  }
0x89: {  	s3 =	sld [smem:$0x3FFE];
	_ =	sdelay $0x1  }
0x8a: {  	s1 =	srdreg.scid  }
0x8b: {  	s0 =	sand.u32 $0x1, s1  }
0x8c: {  	s17 =	sshll.u32 s0, $0xA;
	s2 =	sadd.s32 s3, s2  }
0x8d: {  	s2 =	sadd.s32 s2, s17  }
0x8e: {  	[smem:$0x3FC3] =	sst s2  }
0x8f: {  	_ = 	snop  }
0x90: {  	s2 =	sld [smem:$0x3FC7];
	(tm) =	ssettm $0x1  }
0x91: {  	s18 =	sld [smem:$0x3FFB];
	_ =	sdelay $0x3  }
0x92: {  	_ =	strace s18  }
0x93: {  	s3 =	sld [smem:$0x3FFC];
	_ =	sdelay $0x3  }
0x94: {  	_ =	strace s3  }
0x95: {  	s3 =	sld [smem:$0x3FFD];
	_ =	sdelay $0x3  }
0x96: {  	_ =	strace s3  }
0x97: {  	_ =	strace $0x8FFFFFFF  }
0x98: {  	s19 =	sld [smem:$0x3FDB];
	_ =	sdelay $0x1  }
0x99: {  	s4 =	simm.s32 $_scs_section_size  }
0x9a: {  	s5 =	simm.s32 $_size__tile_overlayer_lowered;
	s6 =	simm.s32 $_tile_overlayer_lowered  }
0x9b: {  	s22 =	simm.s32 $0x1BFF;
	s21 =	sshll.u32 s6, $0x1;
	s3 =	sadd.s32 s4, s19  }
0x9c: {  	s7 =	simm.s32 $0x0;
	s20 =	sshll.u32 s5, $0x1;
	s5 =	sadd.s32 s21, s3  }
0x9d: {  	[timem:s7], [sflag:s22] =	dma.local [hbm:s5], s20  }
0x9e: {  	_ =	swait.ge [sflag:s22], s20  }
0x9f: {  	s4 =	ssub.s32 $0x0, s20;
	[sflag:s22] =	ssyncset.done $0x0  }
0xa0: {  	[sflag:s22] =	ssyncadd.s32 s4;
	_ =	sdelay $0x1  }
0xa1: {  	s23 =	simm.s32 $0x1B8B  }
0xa2: {  	_ =	swait.ge [sflag:s23], $0x1  }
0xa3: {  	[sflag:s23] =	ssyncset.done $0x0  }
0xa4: {  	s25 =	simm.s32 $0x1B8E;
	s24 =	sld [smem:$0x3FFE];
	[sflag:s23] =	ssyncadd.s32 $0xFFFFFFFF  }
0xa5: {  	s26 =	simm.s32 $execute0_lowered;
	[smem:$0x3FD2] =	sst s25  }
0xa6: {  	s5 =	sshll.u32 s26, $0x1;
	_ =	strace $0x80000046;
	[dreg:$0x1] =	wrdreg $0xFFFFFFFF  }
0xa7: {  	s28 =	simm.s32 $_size_execute0_lowered;
	s3 =	sadd.s32 s3, s5;
	[dreg:$0x0] =	wrdreg $0x0  }
0xa8: {  	s5 =	sshll.u32 s28, $0x1;
	[dreg:$0x2] =	wrdreg s3  }
0xa9: {  	[dreg:$0x3] =	wrdreg s5  }
0xaa: {  	[dreg:$0x4] =	wrdreg $0xC0  }
0xab: {  	_ =	task [dreg:s7], $0x5FFFF  }
0xac: {  	[dreg:$0x1] =	wrdreg $0xFFFFFFFF  }
0xad: {  	[dreg:$0x0] =	wrdreg $0x60  }
0xae: {  	[dreg:$0x2] =	wrdreg s24  }
0xaf: {  	[dreg:$0x3] =	wrdreg s2  }
0xb0: {  	[dreg:$0x4] =	wrdreg $0x9  }
0xb1: {  	_ =	task.clear_ibuf [dreg:s7], $0x5FFFF;
	_ =	strace $0x90000046  }
0xb2: {  	s29 =	simm.s32 $0x9;
	_ =	strace $0x80000048  }
0xb3: {  	_ =	swait.ge [sflag:s29], $0x1  }
0xb4: {  	[sflag:s29] =	ssyncadd.s32 $0xFFFFFFFF  }
0xb5: {  	_ =	strace $0x90000048  }
0xb6: {  	_ =	sfence  }
0xb7: {  	s30 =	sld [smem:$0x0];
	_ =	sdelay $0x2  }
0xb8: {  	s31 =	sshll.u32 s1, $0xD;
	s1 =	sshrl.u32 s1, $0x2  }
0xb9: {  	s3 =	sand.u32 $0x4000, s31;
	s1 =	sadd.s32 s1, s30  }
0xba: {  	s0 =	sor.u32 s3, s0;
	s1 =	sshll.u32 s1, $0x11  }
0xbb: {  	s0 =	sor.u32 s1, s0  }
0xbc: {  	s0 =	sadd.s32 $0x8F2B, s0  }
0xbd: {  	[sflag:s0] =	ssyncadd.remote.s32 $0x1  }
0xbe: {  	_ =	sfence.sel $0xFFFF  }
0xbf: {  	[dreg:$0x0] =	wrdreg $0xFFFFFFFF;
	(pc) =	sbr.abs _section_cstart, $3  }
0xc0: {  	[dreg:$0x1] =	wrdreg $0xFFFFFFFF  }
0xc1: {  	_ =	task.clear_ibuf [dreg:s7], $0x2FFFF;
	_ =	strace $0x9FFFFFFF  }
0xc2: {  	(tm) =	ssettm $0x7FFFFFFF  }
0xc3: {  	_ =	shalt  }
tec
execute0_lowered:
.L_overlay_start_1:
0x0: {  	(tag) =	ssettag $0x1  }
0x1: {  	s3 =	rddreg [dreg:$0x0]  }
0x2: {  	s1 =	srdreg.scid;
	s0 =	stileid.u32  }
0x3: {  	s5 =	rddreg [dreg:$0x1];
	s2 =	simm.s32 $0x0;
	s10 =	simm.s32 $0x1000  }
0x4: {  	s11 =	simm.s32 $0x2100;
	s12 =	simm.s32 $0x2200;
	s13 =	simm.s32 $0x80  }
0x5: {  	s14 =	simm.s32 $0x400;
	s4 =	sand.u32 $0x1, s1;
	s1 =	rddreg [dreg:$0x2]  }
0x6: {  	s15 =	simm.s32 $0x0;
	s6 =	sshll.u32 s0, $0x1;
	[smem:$0x7FF] =	sst s2  }
0x7: {  	s7 =	sshll.u32 s0, $0x6;
	s6 =	sor.u32 s4, s6;
	_ =	strace $0x80000047  }
0x8: {  	s7 =	sand.u32 $0x300, s7;
	s4 =	ssub.s32 $0x2, s4;
	s8 =	sshll.u32 s6, $0x4  }
0x9: {  	s9 =	sshll.u32 s6, $0x9;
	s30 =	sshrl.u32 s4, $0x1;
	s6 =	sshll.u32 s6, $0x5  }
0xa: {  	s8 =	sand.u32 $0x70, s8;
	s29 =	sadd.s32 s9, s3;
	s31 =	ssub.s32 s4, s30  }
0xb: {  	s5 =	sadd.s32 s5, s6;
	s9 =	simm.s32 $0x1;
	s7 =	sor.u32 s7, s8  }
0xc: {  	v0 =	vimm.f32 $0.0e+00;
	v1 =	vlaneseq.u32;
	s4 =	sadd.s32 $0x5000, s29;
	s8 =	smax.u32 s31, $0x1;
	s7 =	sadd.s32 s7, s3  }
0xd: {  	v2 =	vimm.f32 $1.000000000e+00;
	v3 =	vimm.s32 $0xF0;
	v1 =	vmul.u32 $0x10, v1;
	s3 =	sadd.s32 $0x1000, s29;
	s6 =	sadd.s32 $0x9000, s7;
	s7 =	sadd.s32 $0x9400, s7  }
.LBB2_1:
0xe: {  	[tilespmem:s2], [sflag:$0x1] =	stream.linear.gather [hbm4b:s3+s2], $0x1000, $0x38;
	[tilespmem:$0x2300] =	vst v63  }
0xf: {  	_ =	swait.ge [sflag:s9], $0x1000  }
0x10: {  	[sflag:s9] =	ssyncset.done $0x0  }
0x11: {  	[sflag:s9] =	ssyncadd.s32 $0xFFFFF000  }
0x12: {  	[tilespmem:s10], [sflag:$0x1] =	stream.linear.gather [hbm4b:s4+s2], $0x1000, $0x38;
	[tilespmem:$0x2300] =	vst v63  }
0x13: {  	_ =	swait.ge [sflag:s9], $0x1000  }
0x14: {  	[sflag:s9] =	ssyncset.done $0x0  }
0x15: {  	s16 =	simm.s32 $0x2000;
	[sflag:s9] =	ssyncadd.s32 $0xFFFFF000  }
0x16: {  	[tilespmem:s16], [sflag:$0x1] =	stream.linear.gather [hbm4b:s5+s2], $0x100, $0x38;
	[tilespmem:$0x2300] =	vst v63  }
0x17: {  	_ =	swait.ge [sflag:s9], $0x100  }
0x18: {  	[sflag:s9] =	ssyncset.done $0x0  }
0x19: {  	[sflag:s9] =	ssyncadd.s32 $0xFFFFFF00  }
0x1a: {  	[tilespmem:$0x2100] =	vst v0  }
0x1b: {  	[tilespmem:$0x2200] =	vst v0  }
0x1c: {  	[tilespmem:$0x2110] =	vst v0  }
0x1d: {  	[tilespmem:$0x2210] =	vst v0  }
0x1e: {  	[tilespmem:$0x2120] =	vst v0  }
0x1f: {  	[tilespmem:$0x2220] =	vst v0  }
0x20: {  	[tilespmem:$0x2130] =	vst v0  }
0x21: {  	[tilespmem:$0x2230] =	vst v0  }
0x22: {  	[tilespmem:$0x2140] =	vst v0  }
0x23: {  	[tilespmem:$0x2240] =	vst v0  }
0x24: {  	[tilespmem:$0x2150] =	vst v0  }
0x25: {  	[tilespmem:$0x2250] =	vst v0  }
0x26: {  	[tilespmem:$0x2160] =	vst v0  }
0x27: {  	[tilespmem:$0x2260] =	vst v0  }
0x28: {  	[tilespmem:$0x2170] =	vst v0  }
0x29: {  	[tilespmem:$0x2270] =	vst v0  }
0x2a: {  	[tilespmem:$0x2180] =	vst v0  }
0x2b: {  	[tilespmem:$0x2280] =	vst v0  }
0x2c: {  	[tilespmem:$0x2190] =	vst v0  }
0x2d: {  	[tilespmem:$0x2290] =	vst v0  }
0x2e: {  	[tilespmem:$0x21A0] =	vst v0  }
0x2f: {  	[tilespmem:$0x22A0] =	vst v0  }
0x30: {  	[tilespmem:$0x21B0] =	vst v0  }
0x31: {  	[tilespmem:$0x22B0] =	vst v0  }
0x32: {  	[tilespmem:$0x21C0] =	vst v0  }
0x33: {  	[tilespmem:$0x22C0] =	vst v0  }
0x34: {  	[tilespmem:$0x21D0] =	vst v0  }
0x35: {  	[tilespmem:$0x22D0] =	vst v0  }
0x36: {  	[tilespmem:$0x21E0] =	vst v0  }
0x37: {  	[tilespmem:$0x22E0] =	vst v0  }
0x38: {  	[tilespmem:$0x21F0] =	vst v0  }
0x39: {  	s17 =	simm.s32 $0x0;
	[tilespmem:$0x22F0] =	vst v0  }
.LBB2_2:
0x3a: {  	v4 =	vmov s17  }
0x3b: {  	v4 =	vshll.u32 v4, $0x4  }
0x3c: {  	v4 =	vor.u32 v1, v4  }
0x3d: {  	v5 =	vor.u32 $0x1, v4  }
0x3e: {  	v6 =	vor.u32 $0x2, v4  }
0x3f: {  	v7 =	vor.u32 $0x3, v4  }
0x40: {  	v8 =	vor.u32 $0x4, v4  }
0x41: {  	v9 =	vor.u32 $0x5, v4;
	v18 =	vld.idx.msk [tilespmem:v4+s2+$0x0], $0xffff  }
0x42: {  	v10 =	vor.u32 $0x6, v4;
	v20 =	vld.idx.msk [tilespmem:v5+s2+$0x0], $0xffff  }
0x43: {  	v11 =	vor.u32 $0x7, v4;
	v21 =	vld.idx.msk [tilespmem:v6+s2+$0x0], $0xffff  }
0x44: {  	v12 =	vor.u32 $0x8, v4;
	v22 =	vld.idx.msk [tilespmem:v7+s2+$0x0], $0xffff  }
0x45: {  	v13 =	vor.u32 $0x9, v4;
	v23 =	vld.idx.msk [tilespmem:v8+s2+$0x0], $0xffff  }
0x46: {  	v14 =	vor.u32 $0xA, v4;
	v24 =	vld.idx.msk [tilespmem:v9+s2+$0x0], $0xffff  }
0x47: {  	v15 =	vor.u32 $0xB, v4;
	v25 =	vld.idx.msk [tilespmem:v10+s2+$0x0], $0xffff;
	v17 =	vmax.f32 v18, v20  }
0x48: {  	v16 =	vor.u32 $0xC, v4;
	v26 =	vld.idx.msk [tilespmem:v11+s2+$0x0], $0xffff;
	v19 =	vmax.f32 v17, v21  }
0x49: {  	v27 =	vld.idx.msk [tilespmem:v12+s2+$0x0], $0xffff;
	v17 =	vor.u32 $0xD, v4;
	v28 =	vmax.f32 v19, v22  }
0x4a: {  	v29 =	vld.idx.msk [tilespmem:v13+s2+$0x0], $0xffff;
	v19 =	vor.u32 $0xE, v4;
	v28 =	vmax.f32 v28, v23  }
0x4b: {  	v30 =	vld.idx.msk [tilespmem:v14+s2+$0x0], $0xffff;
	v28 =	vmax.f32 v28, v24  }
0x4c: {  	v31 =	vld.idx.msk [tilespmem:v15+s2+$0x0], $0xffff;
	v28 =	vmax.f32 v28, v25  }
0x4d: {  	v32 =	vld.idx.msk [tilespmem:v16+s2+$0x0], $0xffff;
	v28 =	vmax.f32 v28, v26  }
0x4e: {  	v33 =	vld.idx.msk [tilespmem:v17+s2+$0x0], $0xffff;
	v28 =	vmax.f32 v28, v27  }
0x4f: {  	v34 =	vld.idx.msk [tilespmem:v19+s2+$0x0], $0xffff;
	v28 =	vmax.f32 v28, v29  }
0x50: {  	v28 =	vmax.f32 v28, v30  }
0x51: {  	v28 =	vmax.f32 v28, v31  }
0x52: {  	v28 =	vmax.f32 v28, v32  }
0x53: {  	v28 =	vmax.f32 v28, v33  }
0x54: {  	v28 =	vmax.f32 v28, v34  }
0x55: {  	v18 =	vsub.f32 v18, v28  }
0x56: {  	v20 =	vsub.f32 v20, v28  }
0x57: {  	v18 =	vmul.f32 $1.000000010e-01, v18  }
0x58: {  	v21 =	vsub.f32 v21, v28;
	v20 =	vmul.f32 $1.000000010e-01, v20  }
0x59: {  	v22 =	vsub.f32 v22, v28;
	v18 =	vmul.f32 $1.442695020e+00, v18  }
0x5a: {  	v21 =	vmul.f32 $1.000000010e-01, v21;
	v20 =	vmul.f32 $1.442695020e+00, v20  }
0x5b: {  	v61 =	vsub.f32 v23, v28;
	v60 =	vmul.f32 $1.000000010e-01, v22;
	(erf) = vpow2.f32 v18  }
0x5c: {  	v62 =	vmul.f32 $1.442695020e+00, v21;
	(erf) = vpow2.f32 v20  }
0x5d: {  	v63 =	vsub.f32 v24, v28;
	v22 =	vmul.f32 $1.000000010e-01, v61  }
0x5e: {  	v18 =	vmul.f32 $1.442695020e+00, v60;
	(erf) = vpow2.f32 v62  }
0x5f: {  	v25 =	vsub.f32 v25, v28;
	v24 =	vmul.f32 $1.000000010e-01, v63  }
0x60: {  	v36 =	vsub.f32 v26, v28;
	v35 =	vmul.f32 $1.442695020e+00, v22;
	(erf) = vpow2.f32 v18  }
0x61: {  	v38 =	vsub.f32 v27, v28;
	v21 =	vmul.f32 $1.000000010e-01, v25;
	v20 =	vmul.f32 $1.442695020e+00, v24  }
0x62: {  	v42 =	vsub.f32 v29, v28;
	v37 =	vmul.f32 $1.000000010e-01, v36;
	(erf) = vpow2.f32 v35  }
0x63: {  	v40 =	vmul.f32 $1.000000010e-01, v38;
	v39 =	vmul.f32 $1.442695020e+00, v21  }
0x64: {  	v45 =	vmul.f32 $1.000000010e-01, v42;
	(erf) = vpow2.f32 v20;
	v22 =	vpop (erf)  }
0x65: {  	v47 =	vsub.f32 v31, v28;
	v18 =	vmul.f32 $1.442695020e+00, v37;
	(erf) = vpow2.f32 v39;
	v20 =	vpop (erf)  }
0x66: {  	v43 =	vmul.f32 v22, v22;
	v44 =	vmul.f32 v20, v20  }
0x67: {  	v46 =	vsub.f32 v30, v28;
	v26 =	vmul.f32 $1.000000010e-01, v47;
	v41 =	vmul.f32 $1.442695020e+00, v40;
	v25 =	vpop (erf)  }
0x68: {  	(erf) = vpow2.f32 v18;
	v48 =	vmul.f32 v25, v25;
	v23 =	vadd.f32 v44, v43  }
0x69: {  	v21 =	vmul.f32 $1.000000010e-01, v46;
	v18 =	vmul.f32 $1.442695020e+00, v45;
	v27 =	vpop (erf)  }
0x6a: {  	(erf) = vpow2.f32 v41;
	v49 =	vmul.f32 v27, v27;
	v23 =	vadd.f32 v23, v48  }
0x6b: {  	v51 =	vsub.f32 v32, v28;
	v26 =	vmul.f32 $1.442695020e+00, v26;
	v50 =	vmul.f32 $1.442695020e+00, v21;
	v29 =	vpop (erf)  }
0x6c: {  	(erf) = vpow2.f32 v18;
	v52 =	vmul.f32 v29, v29;
	v23 =	vadd.f32 v23, v49  }
0x6d: {  	v54 =	vsub.f32 v33, v28;
	v53 =	vmul.f32 $1.000000010e-01, v51;
	v30 =	vpop (erf)  }
0x6e: {  	(erf) = vpow2.f32 v50;
	v55 =	vmul.f32 v30, v30;
	v23 =	vadd.f32 v23, v52  }
0x6f: {  	v28 =	vsub.f32 v34, v28;
	v21 =	vmul.f32 $1.000000010e-01, v54;
	(erf) = vpow2.f32 v26;
	v26 =	vpop (erf)  }
0x70: {  	v18 =	vmul.f32 $1.442695020e+00, v53;
	v56 =	vmul.f32 v26, v26;
	v23 =	vadd.f32 v23, v55  }
0x71: {  	v58 =	vmul.f32 $1.000000010e-01, v28;
	v57 =	vmul.f32 $1.442695020e+00, v21;
	v31 =	vpop (erf)  }
0x72: {  	(erf) = vpow2.f32 v18;
	v59 =	vmul.f32 v31, v31;
	v23 =	vadd.f32 v23, v56  }
0x73: {  	v60 =	vmul.f32 $1.442695020e+00, v58;
	v28 =	vpop (erf)  }
0x74: {  	(erf) = vpow2.f32 v57;
	v62 =	vmul.f32 v28, v28;
	v61 =	vadd.f32 v23, v59  }
0x75: {  	v63 =	vpop (erf)  }
0x76: {  	(erf) = vpow2.f32 v60;
	v39 =	vmul.f32 v63, v63;
	v38 =	vadd.f32 v61, v62  }
0x77: {  	v23 =	vpop (erf)  }
0x78: {  	v40 =	vmul.f32 v23, v23;
	v18 =	vadd.f32 v38, v39  }
0x79: {  	v32 =	vpop (erf)  }
0x7a: {  	v41 =	vmul.f32 v32, v32;
	v18 =	vadd.f32 v18, v40  }
0x7b: {  	v42 =	vpop (erf)  }
0x7c: {  	v43 =	vmul.f32 v42, v42;
	v18 =	vadd.f32 v18, v41  }
0x7d: {  	v44 =	vpop (erf)  }
0x7e: {  	v45 =	vmul.f32 v44, v44;
	v18 =	vadd.f32 v18, v43  }
0x7f: {  	v35 =	vpop (erf)  }
0x80: {  	v46 =	vmul.f32 v35, v35;
	v18 =	vadd.f32 v18, v45;
	_ =	sdelay $0x1  }
0x81: {  	v18 =	vadd.f32 v18, v46;
	_ =	sdelay $0x1  }
0x82: {  	v21 =	vshra.s32 v18, $0x1;
	v18 =	vmul.f32 $5.000000000e-01, v18  }
0x83: {  	v21 =	vsub.s32 $0x5F3759DF, v21  }
0x84: {  	v36 =	vmul.f32 v21, v18;
	_ =	sdelay $0x1  }
0x85: {  	v36 =	vmul.f32 v21, v36;
	_ =	sdelay $0x1  }
0x86: {  	v36 =	vsub.f32 $1.500000000e+00, v36;
	_ =	sdelay $0x1  }
0x87: {  	v21 =	vmul.f32 v21, v36;
	_ =	sdelay $0x1  }
0x88: {  	v36 =	vmul.f32 v21, v18;
	_ =	sdelay $0x1  }
0x89: {  	v36 =	vmul.f32 v36, v21;
	_ =	sdelay $0x1  }
0x8a: {  	v36 =	vsub.f32 $1.500000000e+00, v36;
	_ =	sdelay $0x1  }
0x8b: {  	v21 =	vmul.f32 v36, v21;
	_ =	sdelay $0x1  }
0x8c: {  	v47 =	vld [tilespmem:s16+$0x0];
	v18 =	vmul.f32 v21, v18;
	_ =	sdelay $0x1  }
0x8d: {  	v18 =	vmul.f32 v18, v21;
	_ =	sdelay $0x1  }
0x8e: {  	v18 =	vsub.f32 $1.500000000e+00, v18  }
0x8f: {  	v36 =	vshll.u32 v47, $0x4  }
0x90: {  	v48 =	vor.u32 $0x1, v36;
	v18 =	vmul.f32 v18, v21  }
0x91: {  	v37 =	vor.u32 $0x2, v36  }
0x92: {  	v38 =	vor.u32 $0x3, v36;
	v22 =	vmul.f32 v18, v22  }
0x93: {  	v39 =	vor.u32 $0x4, v36;
	v20 =	vmul.f32 v18, v20  }
0x94: {  	v50 =	vor.u32 $0x5, v36;
	v49 =	vmul.f32 v18, v25;
	[tilespmem:v36+s11+$0x0] =	vst.idx.add.f32.msk $0xffff, v22  }
0x95: {  	v52 =	vor.u32 $0x6, v36;
	v51 =	vmul.f32 v18, v27;
	[tilespmem:v48+s11+$0x0] =	vst.idx.add.f32.msk $0xffff, v20  }
0x96: {  	v54 =	vor.u32 $0x7, v36;
	v53 =	vmul.f32 v18, v29;
	[tilespmem:v37+s11+$0x0] =	vst.idx.add.f32.msk $0xffff, v49  }
0x97: {  	v56 =	vor.u32 $0x8, v36;
	v55 =	vmul.f32 v18, v30;
	[tilespmem:v38+s11+$0x0] =	vst.idx.add.f32.msk $0xffff, v51  }
0x98: {  	v58 =	vor.u32 $0x9, v36;
	v57 =	vmul.f32 v18, v26;
	[tilespmem:v39+s11+$0x0] =	vst.idx.add.f32.msk $0xffff, v53  }
0x99: {  	v60 =	vor.u32 $0xA, v36;
	v59 =	vmul.f32 v18, v31;
	[tilespmem:v50+s11+$0x0] =	vst.idx.add.f32.msk $0xffff, v55  }
0x9a: {  	v62 =	vor.u32 $0xB, v36;
	v61 =	vmul.f32 v18, v28;
	[tilespmem:v52+s11+$0x0] =	vst.idx.add.f32.msk $0xffff, v57  }
0x9b: {  	v63 =	vmul.f32 v18, v63;
	v28 =	vor.u32 $0xC, v36;
	[tilespmem:v54+s11+$0x0] =	vst.idx.add.f32.msk $0xffff, v59  }
0x9c: {  	v30 =	vmul.f32 v18, v23;
	v31 =	vor.u32 $0xD, v36;
	[tilespmem:v56+s11+$0x0] =	vst.idx.add.f32.msk $0xffff, v61  }
0x9d: {  	v32 =	vmul.f32 v18, v32;
	v37 =	vor.u32 $0xE, v36;
	[tilespmem:v58+s11+$0x0] =	vst.idx.add.f32.msk $0xffff, v63  }
0x9e: {  	v38 =	vmul.f32 v18, v42;
	v39 =	vor.u32 $0xF, v36;
	[tilespmem:v60+s11+$0x0] =	vst.idx.add.f32.msk $0xffff, v30  }
0x9f: {  	v40 =	vmul.f32 v18, v44;
	[tilespmem:v62+s11+$0x0] =	vst.idx.add.f32.msk $0xffff, v32  }
0xa0: {  	v18 =	vmul.f32 v18, v35;
	[tilespmem:v28+s11+$0x0] =	vst.idx.add.f32.msk $0xffff, v38  }
0xa1: {  	[tilespmem:v31+s11+$0x0] =	vst.idx.add.f32.msk $0xffff, v40  }
0xa2: {  	[tilespmem:v37+s11+$0x0] =	vst.idx.add.f32.msk $0xffff, v18  }
0xa3: {  	[tilespmem:v39+s11+$0x0] =	vst.idx.add.f32.msk $0xffff, v2  }
0xa4: {  	v4 =	vld.idx.msk [tilespmem:v4+s10+$0x0], $0xffff  }
0xa5: {  	v5 =	vld.idx.msk [tilespmem:v5+s10+$0x0], $0xffff  }
0xa6: {  	v6 =	vld.idx.msk [tilespmem:v6+s10+$0x0], $0xffff  }
0xa7: {  	v7 =	vld.idx.msk [tilespmem:v7+s10+$0x0], $0xffff  }
0xa8: {  	v8 =	vld.idx.msk [tilespmem:v8+s10+$0x0], $0xffff  }
0xa9: {  	v9 =	vld.idx.msk [tilespmem:v9+s10+$0x0], $0xffff  }
0xaa: {  	v10 =	vld.idx.msk [tilespmem:v10+s10+$0x0], $0xffff;
	v41 =	vmax.f32 v4, v5  }
0xab: {  	v18 =	vld.idx.msk [tilespmem:v11+s10+$0x0], $0xffff;
	v42 =	vmax.f32 v41, v6  }
0xac: {  	v12 =	vld.idx.msk [tilespmem:v12+s10+$0x0], $0xffff;
	v11 =	vmax.f32 v42, v7  }
0xad: {  	v13 =	vld.idx.msk [tilespmem:v13+s10+$0x0], $0xffff;
	v11 =	vmax.f32 v11, v8  }
0xae: {  	v14 =	vld.idx.msk [tilespmem:v14+s10+$0x0], $0xffff;
	v11 =	vmax.f32 v11, v9  }
0xaf: {  	v15 =	vld.idx.msk [tilespmem:v15+s10+$0x0], $0xffff;
	v11 =	vmax.f32 v11, v10  }
0xb0: {  	v16 =	vld.idx.msk [tilespmem:v16+s10+$0x0], $0xffff;
	v11 =	vmax.f32 v11, v18  }
0xb1: {  	v17 =	vld.idx.msk [tilespmem:v17+s10+$0x0], $0xffff;
	v11 =	vmax.f32 v11, v12  }
0xb2: {  	v19 =	vld.idx.msk [tilespmem:v19+s10+$0x0], $0xffff;
	v11 =	vmax.f32 v11, v13  }
0xb3: {  	v11 =	vmax.f32 v11, v14  }
0xb4: {  	v11 =	vmax.f32 v11, v15  }
0xb5: {  	v11 =	vmax.f32 v11, v16  }
0xb6: {  	v11 =	vmax.f32 v11, v17  }
0xb7: {  	v11 =	vmax.f32 v11, v19  }
0xb8: {  	v43 =	vsub.f32 v4, v11;
	v21 =	vsub.f32 v5, v11  }
0xb9: {  	v23 =	vsub.f32 v6, v11;
	v50 =	vsub.f32 v7, v11  }
0xba: {  	v26 =	vsub.f32 v8, v11;
	v48 =	vmul.f32 $1.442695020e+00, v43;
	v49 =	vmul.f32 $1.442695020e+00, v21  }
0xbb: {  	v27 =	vsub.f32 v9, v11;
	v51 =	vmul.f32 $1.442695020e+00, v23;
	v52 =	vmul.f32 $1.442695020e+00, v50  }
0xbc: {  	v54 =	vsub.f32 v10, v11;
	v53 =	vmul.f32 $1.442695020e+00, v26;
	(erf) = vpow2.f32 v48  }
0xbd: {  	v29 =	vsub.f32 v18, v11;
	v55 =	vmul.f32 $1.442695020e+00, v27;
	(erf) = vpow2.f32 v49  }
0xbe: {  	v57 =	vsub.f32 v12, v11;
	v56 =	vmul.f32 $1.442695020e+00, v54;
	(erf) = vpow2.f32 v51  }
0xbf: {  	v59 =	vsub.f32 v13, v11;
	v58 =	vmul.f32 $1.442695020e+00, v29;
	(erf) = vpow2.f32 v52  }
0xc0: {  	v61 =	vsub.f32 v14, v11;
	v60 =	vmul.f32 $1.442695020e+00, v57;
	(erf) = vpow2.f32 v53  }
0xc1: {  	v63 =	vsub.f32 v15, v11;
	v62 =	vmul.f32 $1.442695020e+00, v59;
	(erf) = vpow2.f32 v55  }
0xc2: {  	v34 =	vsub.f32 v16, v11;
	v44 =	vmul.f32 $1.442695020e+00, v61;
	(erf) = vpow2.f32 v56  }
0xc3: {  	v35 =	vsub.f32 v17, v11;
	v45 =	vmul.f32 $1.442695020e+00, v63;
	(erf) = vpow2.f32 v58  }
0xc4: {  	v46 =	vmul.f32 $1.442695020e+00, v34;
	(erf) = vpow2.f32 v60  }
0xc5: {  	v47 =	vmul.f32 $1.442695020e+00, v35;
	(erf) = vpow2.f32 v62;
	v36 =	vpop (erf)  }
0xc6: {  	v24 =	vsub.f32 v19, v11;
	v20 =	vmul.f32 $1.000000010e-01, v43;
	(erf) = vpow2.f32 v44;
	v37 =	vpop (erf)  }
0xc7: {  	v21 =	vmul.f32 $1.000000010e-01, v21;
	(erf) = vpow2.f32 v45;
	v38 =	vpop (erf)  }
0xc8: {  	v48 =	vmul.f32 $1.442695020e+00, v24;
	(erf) = vpow2.f32 v46;
	v40 =	vpop (erf)  }
0xc9: {  	v20 =	vmul.f32 $1.442695020e+00, v20;
	(erf) = vpow2.f32 v47;
	v41 =	vpop (erf)  }
0xca: {  	v21 =	vmul.f32 $1.442695020e+00, v21;
	(erf) = vpow2.f32 v48;
	v39 =	vpop (erf)  }
0xcb: {  	v49 =	vmul.f32 $1.000000010e-01, v23;
	v23 =	vpop (erf);
	(erf) = vpow2.f32 v20  }
0xcc: {  	v50 =	vmul.f32 $1.000000010e-01, v50;
	v25 =	vpop (erf);
	(erf) = vpow2.f32 v21  }
0xcd: {  	v51 =	vmul.f32 $1.442695020e+00, v49;
	v42 =	vpop (erf)  }
0xce: {  	v53 =	vmul.f32 $1.000000010e-01, v27;
	v20 =	vmul.f32 $1.442695020e+00, v50;
	v43 =	vpop (erf)  }
0xcf: {  	v52 =	vmul.f32 $1.000000010e-01, v26;
	(erf) = vpow2.f32 v51;
	v26 =	vpop (erf)  }
0xd0: {  	(erf) = vpow2.f32 v20;
	v20 =	vmul.f32 $1.442695020e+00, v53;
	v27 =	vpop (erf)  }
0xd1: {  	v21 =	vmul.f32 $1.442695020e+00, v52;
	v28 =	vpop (erf)  }
0xd2: {  	v44 =	vpop (erf)  }
0xd3: {  	v54 =	vmul.f32 $1.000000010e-01, v54;
	(erf) = vpow2.f32 v21;
	v45 =	vpop (erf)  }
0xd4: {  	v56 =	vmul.f32 $1.000000010e-01, v29;
	(erf) = vpow2.f32 v20;
	v20 =	vpop (erf)  }
0xd5: {  	v30 =	vmul.f32 $1.000000010e-01, v57;
	v55 =	vmul.f32 $1.442695020e+00, v54;
	v21 =	vpop (erf)  }
0xd6: {  	v29 =	vmul.f32 $1.442695020e+00, v56;
	v47 =	vmul.f32 v21, v21  }
0xd7: {  	(erf) = vpow2.f32 v55;
	v46 =	vmul.f32 v20, v20  }
0xd8: {  	v57 =	vmul.f32 $1.000000010e-01, v59;
	v30 =	vmul.f32 $1.442695020e+00, v30;
	v22 =	vpop (erf)  }
0xd9: {  	(erf) = vpow2.f32 v29;
	v59 =	vmul.f32 v22, v22;
	v58 =	vadd.f32 v47, v46  }
0xda: {  	v32 =	vmul.f32 $1.000000010e-01, v61;
	v29 =	vmul.f32 $1.442695020e+00, v57;
	v47 =	vpop (erf)  }
0xdb: {  	(erf) = vpow2.f32 v30;
	v60 =	vadd.f32 v58, v59;
	v61 =	vmul.f32 v47, v47  }
0xdc: {  	v63 =	vmul.f32 $1.000000010e-01, v63;
	v62 =	vmul.f32 $1.442695020e+00, v32;
	v46 =	vpop (erf)  }
0xdd: {  	(erf) = vpow2.f32 v29;
	v48 =	vmul.f32 v46, v46;
	v30 =	vadd.f32 v60, v61  }
0xde: {  	v49 =	vmul.f32 $1.000000010e-01, v34;
	v32 =	vmul.f32 $1.442695020e+00, v63;
	v33 =	vpop (erf)  }
0xdf: {  	(erf) = vpow2.f32 v62;
	v50 =	vmul.f32 v33, v33;
	v30 =	vadd.f32 v30, v48  }
0xe0: {  	v35 =	vmul.f32 $1.000000010e-01, v35;
	v29 =	vmul.f32 $1.442695020e+00, v49;
	v34 =	vpop (erf)  }
0xe1: {  	(erf) = vpow2.f32 v32;
	v51 =	vmul.f32 v34, v34;
	v30 =	vadd.f32 v30, v50  }
0xe2: {  	v24 =	vmul.f32 $1.000000010e-01, v24;
	v52 =	vmul.f32 $1.442695020e+00, v35;
	v32 =	vpop (erf)  }
0xe3: {  	(erf) = vpow2.f32 v29;
	v53 =	vmul.f32 v32, v32;
	v30 =	vadd.f32 v30, v51  }
0xe4: {  	v24 =	vmul.f32 $1.442695020e+00, v24;
	v35 =	vpop (erf)  }
0xe5: {  	(erf) = vpow2.f32 v52;
	v55 =	vmul.f32 v35, v35;
	v54 =	vadd.f32 v30, v53  }
0xe6: {  	v31 =	vpop (erf)  }
0xe7: {  	(erf) = vpow2.f32 v24;
	v57 =	vmul.f32 v31, v31;
	v56 =	vadd.f32 v54, v55  }
0xe8: {  	v30 =	vpop (erf)  }
0xe9: {  	v58 =	vmul.f32 v30, v30;
	v24 =	vadd.f32 v56, v57  }
0xea: {  	v48 =	vpop (erf)  }
0xeb: {  	v59 =	vmul.f32 v48, v48;
	v24 =	vadd.f32 v24, v58  }
0xec: {  	v49 =	vpop (erf)  }
0xed: {  	v60 =	vmul.f32 v49, v49;
	v24 =	vadd.f32 v24, v59  }
0xee: {  	v50 =	vpop (erf)  }
0xef: {  	v61 =	vmul.f32 v50, v50;
	v24 =	vadd.f32 v24, v60  }
0xf0: {  	v36 =	vadd.f32 v37, v36;
	v37 =	vpop (erf)  }
0xf1: {  	v62 =	vmul.f32 v37, v37;
	v24 =	vadd.f32 v24, v61;
	_ =	sdelay $0x1  }
0xf2: {  	v36 =	vadd.f32 v36, v38;
	v24 =	vadd.f32 v24, v62;
	_ =	sdelay $0x1  }
0xf3: {  	v63 =	vadd.f32 v36, v40;
	v40 =	vshra.s32 v24, $0x1;
	v24 =	vmul.f32 $5.000000000e-01, v24  }
0xf4: {  	v36 =	vsub.s32 $0x5F3759DF, v40  }
0xf5: {  	v29 =	vadd.f32 v63, v41;
	v41 =	vmul.f32 v36, v24;
	_ =	sdelay $0x1  }
0xf6: {  	v29 =	vadd.f32 v29, v39;
	v38 =	vmul.f32 v36, v41;
	_ =	sdelay $0x1  }
0xf7: {  	v23 =	vadd.f32 v29, v23;
	v51 =	vsub.f32 $1.500000000e+00, v38;
	_ =	sdelay $0x1  }
0xf8: {  	v23 =	vadd.f32 v23, v25;
	v52 =	vmul.f32 v36, v51;
	_ =	sdelay $0x1  }
0xf9: {  	vm0 =	veq.f32 v19, v11;
	v23 =	vadd.f32 v23, v42;
	v53 =	vmul.f32 v52, v24  }
0xfa: {  	vm1 =	veq.f32 v17, v11;
	vm14 =	veq.f32 v16, v11;
	v54 =	vsel vm0, $0xE0, v3  }
0xfb: {  	v23 =	vadd.f32 v23, v43;
	v55 =	vsel vm1, $0xD0, v54;
	v56 =	vmul.f32 v53, v52  }
0xfc: {  	vm15 =	veq.f32 v15, v11;
	vm4 =	veq.f32 v14, v11;
	v58 =	vsel vm14, $0xC0, v55  }
0xfd: {  	v57 =	vadd.f32 v23, v26;
	v59 =	vsel vm15, $0xB0, v58;
	v60 =	vsub.f32 $1.500000000e+00, v56  }
0xfe: {  	vm5 =	veq.f32 v13, v11;
	vm6 =	veq.f32 v12, v11;
	v14 =	vsel vm4, $0xA0, v59  }
0xff: {  	v14 =	vsel vm5, $0x90, v14;
	v61 =	vadd.f32 v57, v27;
	v62 =	vmul.f32 v60, v52  }
0x100: {  	vm7 =	veq.f32 v18, v11;
	vm8 =	veq.f32 v10, v11;
	v14 =	vsel vm6, $0x80, v14  }
0x101: {  	v14 =	vsel vm7, $0x70, v14;
	v63 =	vadd.f32 v61, v28;
	v15 =	vmul.f32 v62, v24  }
0x102: {  	vm9 =	veq.f32 v9, v11;
	vm10 =	veq.f32 v8, v11;
	v17 =	vsel vm8, $0x60, v14  }
0x103: {  	v12 =	vsel vm9, $0x50, v17;
	v16 =	vadd.f32 v63, v44;
	v18 =	vmul.f32 v15, v62  }
0x104: {  	vm11 =	veq.f32 v7, v11;
	vm12 =	veq.f32 v6, v11;
	v23 =	vsel vm10, $0x40, v12  }
0x105: {  	v25 =	vsel vm11, $0x30, v23;
	v19 =	vadd.f32 v16, v45;
	v24 =	vsub.f32 $1.500000000e+00, v18  }
0x106: {  	vm14 =	veq.f32 v5, v11;
	vm15 =	veq.f32 v4, v11;
	v6 =	vsel vm12, $0x20, v25  }
0x107: {  	v6 =	vsel vm14, $0x10, v6;
	vm13 =	vlt.f32 v19, $1.250000000e+00;
	v5 =	vmul.f32 v24, v62  }
0x108: {  	v6 =	vsel vm15, $0x0, v6;
	v4 =	vsel vm13, $0x3F800000, v0  }
0x109: {  	v26 =	vadd.s32 $0x1, v6;
	v5 =	vmul.f32 v5, v4  }
0x10a: {  	v27 =	vadd.s32 $0x2, v6  }
0x10b: {  	v29 =	vadd.s32 $0x3, v6;
	v28 =	vmul.f32 v5, v20  }
0x10c: {  	v38 =	vadd.s32 $0x4, v6;
	v36 =	vmul.f32 v5, v21  }
0x10d: {  	v40 =	vadd.s32 $0x5, v6;
	v39 =	vmul.f32 v5, v22;
	[tilespmem:v6+s12+$0x0] =	vst.idx.add.f32.msk $0xffff, v28  }
0x10e: {  	v42 =	vadd.s32 $0x6, v6;
	v41 =	vmul.f32 v5, v47;
	[tilespmem:v26+s12+$0x0] =	vst.idx.add.f32.msk $0xffff, v36  }
0x10f: {  	v44 =	vadd.s32 $0x7, v6;
	v43 =	vmul.f32 v5, v46;
	[tilespmem:v27+s12+$0x0] =	vst.idx.add.f32.msk $0xffff, v39  }
0x110: {  	v45 =	vmul.f32 v5, v33;
	v46 =	vadd.s32 $0x8, v6;
	[tilespmem:v29+s12+$0x0] =	vst.idx.add.f32.msk $0xffff, v41  }
0x111: {  	v51 =	vadd.s32 $0x9, v6;
	v47 =	vmul.f32 v5, v34;
	[tilespmem:v38+s12+$0x0] =	vst.idx.add.f32.msk $0xffff, v43  }
0x112: {  	v53 =	vadd.s32 $0xA, v6;
	v52 =	vmul.f32 v5, v32;
	[tilespmem:v40+s12+$0x0] =	vst.idx.add.f32.msk $0xffff, v45  }
0x113: {  	v55 =	vadd.s32 $0xB, v6;
	v54 =	vmul.f32 v5, v35;
	[tilespmem:v42+s12+$0x0] =	vst.idx.add.f32.msk $0xffff, v47  }
0x114: {  	v57 =	vadd.s32 $0xC, v6;
	v56 =	vmul.f32 v5, v31;
	[tilespmem:v44+s12+$0x0] =	vst.idx.add.f32.msk $0xffff, v52  }
0x115: {  	v59 =	vadd.s32 $0xD, v6;
	v58 =	vmul.f32 v5, v30;
	[tilespmem:v46+s12+$0x0] =	vst.idx.add.f32.msk $0xffff, v54  }
0x116: {  	v61 =	vadd.s32 $0xE, v6;
	v60 =	vmul.f32 v5, v48;
	[tilespmem:v51+s12+$0x0] =	vst.idx.add.f32.msk $0xffff, v56  }
0x117: {  	p0 =	sne.s32 s17, $0xF0;
	v62 =	vmul.f32 v5, v49;
	v6 =	vadd.s32 $0xF, v6;
	[tilespmem:v53+s12+$0x0] =	vst.idx.add.f32.msk $0xffff, v58  }
.Ltmp0:
0x118: {  	v63 =	vmul.f32 v5, v50;
	[tilespmem:v55+s12+$0x0] =	vst.idx.add.f32.msk $0xffff, v60;
	(pc) =	sbr.rel @p0 .LBB2_2-.Ltmp0, $4  }
0x119: {  	v5 =	vmul.f32 v5, v37;
	[tilespmem:v57+s12+$0x0] =	vst.idx.add.f32.msk $0xffff, v62  }
0x11a: {  	[tilespmem:v59+s12+$0x0] =	vst.idx.add.f32.msk $0xffff, v63  }
0x11b: {  	[tilespmem:v61+s12+$0x0] =	vst.idx.add.f32.msk $0xffff, v5  }
0x11c: {  	s17 =	sadd.s32 $0x10, s17;
	s16 =	sadd.s32 $0x10, s16;
	[tilespmem:v6+s12+$0x0] =	vst.idx.add.f32.msk $0xffff, v4  }
0x11d: {  	[hbm4b:s6+s13] =	stream.strided.scatter [tilespmem:s11], [sflag:$0x1], $0x100, s14, s13, $0x38;
	[tilespmem:$0x2300] =	vst v63  }
0x11e: {  	s15 =	sadd.s32 $0x1, s15;
	_ =	swait.ge [sflag:s9], $0x100  }
0x11f: {  	p0 =	sne.s32 s15, s8;
	[sflag:s9] =	ssyncset.done $0x0  }
.Ltmp1:
0x120: {  	[sflag:s9] =	ssyncadd.s32 $0xFFFFFF00;
	(pc) =	sbr.rel @p0 .LBB2_1-.Ltmp1, $4  }
0x121: {  	[hbm4b:s7+s13] =	stream.strided.scatter [tilespmem:s12], [sflag:$0x1], $0x100, s14, s13, $0x38;
	[tilespmem:$0x2300] =	vst v63  }
0x122: {  	_ =	swait.ge [sflag:s9], $0x100  }
0x123: {  	[sflag:s9] =	ssyncset.done $0x0  }
0x124: {  	[sflag:s9] =	ssyncadd.s32 $0xFFFFFF00  }
0x125: {  	_ =	sfence.sel $0x180000  }
0x126: {  	[bflag:$0x0] =	sbarrier.arrive $0xFFFF  }
0x127: {  	p0 =	sne.s32 s0, $0x0;
	_ =	strace $0x90000047  }
0x128: {  	s0 =	sadd.s32 @!p0 $0x100000, s1;
	[bflag:$0x2] =	sbarrier.arrive $0xFFFF  }
0x129: {  	[sflag:s0] =	ssyncadd.tile.s32 @!p0 $0x1;
	_ =	shalt  }
.Lfunc_end2:
_tile_overlayer_lowered:
.L_overlay_start_2:
0x12a: {  	(tag) =	ssettag $0x2  }
0x12b: {  	s0 =	rddreg [dreg:$0x0];
	s2 =	stileid.u32  }
0x12c: {  	s1 =	rddreg [dreg:$0x1];
	p0 =	sne.s32 s2, $0x0  }
0x12d: {  	s3 =	rddreg [dreg:$0x2];
	[bflag:$0x3] =	sbarrier.arrive $0xFFFF;
	s2 =	simm.s32 @!p0 $0x1C01  }
0x12e: {  	[timem:s3], [sflag:s2] =	dma.local @!p0 [hbm:s0], s1  }
0x12f: {  	s0 =	simm.s32 @!p0 $0x1  }
0x130: {  	_ =	swait.ge @!p0 [sflag:s0], s1  }
0x131: {  	s1 =	ssub.s32 @!p0 $0x0, s1;
	[sflag:s0] =	ssyncset.done @!p0 $0x0  }
0x132: {  	[sflag:s0] =	ssyncadd.s32 @!p0 s1  }
0x133: {  	[bflag:$0x3] =	sbarrier.arrive $0xFFFF  }
0x134: {  	_ =	shalt  }

</sc_bundles>
